<compile_context>
chip_gen: v7x
topology: tpu7x:2x2x1
jax: 0.10.2.dev20260603
libtpu: 0.0.44.dev20260713+nightly
codegen_flags: <defaults>
</compile_context>

<pallas_src>
import functools

import jax
import jax.numpy as jnp
from jax import lax
from jax.experimental import pallas as pl
from jax.experimental.pallas import tpu as pltpu
from jax.experimental.pallas import tpu_sc as plsc

NC = 2
NS = 16
NW = NC * NS
LANES = 16
CHUNK = 128
NBUF = 5
DEPTH = 3
RAMP = 336


def _make_kernel(N, V, L, D):
    rows_per_w = N // NW
    n_chunks = rows_per_w // CHUNK
    mesh = plsc.VectorSubcoreMesh(
        core_axis_name="c", subcore_axis_name="s", num_cores=NC, num_subcores=NS
    )

    @functools.partial(
        pl.kernel,
        out_type=jax.ShapeDtypeStruct((N, D), jnp.float32),
        mesh=mesh,
        scratch_types=[
            pltpu.VMEM_SHARED((L + CHUNK, D), jnp.float32),
            pltpu.VMEM((n_chunks, CHUNK), jnp.int32),
            pltpu.VMEM((RAMP,), jnp.int32),
            pltpu.VMEM((NBUF, CHUNK, D), jnp.float32),
            pltpu.SemaphoreType.DMA((NBUF,)),
            pltpu.SemaphoreType.DMA((NBUF,)),
            pltpu.SemaphoreType.DMA((NBUF,)),
        ],
    )
    def k(x2_hbm, tok_hbm, pos_hbm, out_hbm, pos_sp, idxs_v, ramp_v, rows_v,
          semg, sema, sems):
        cid = lax.axis_index("c")
        sid = lax.axis_index("s")
        wid = sid * NC + cid
        base = wid * rows_per_w

        @pl.when(sid == 0)
        def _stage_pos():
            pltpu.sync_copy(pos_hbm, pos_sp.at[pl.ds(0, L)])
            pltpu.sync_copy(pos_hbm.at[pl.ds(0, CHUNK)], pos_sp.at[pl.ds(L, CHUNK)])

        pltpu.sync_copy(x2_hbm.at[pl.ds(wid * n_chunks, n_chunks)], idxs_v)
        iota = lax.iota(jnp.int32, LANES)
        for g in range(RAMP // LANES):
            ramp_v[pl.ds(g * LANES, LANES)] = iota + (g * LANES)
        plsc.subcore_barrier()

        for c in range(DEPTH):
            pltpu.async_copy(tok_hbm.at[idxs_v.at[c]], rows_v.at[c], semg.at[c])

        def chunk_body(c, carry):
            p = lax.rem(c, NBUF)

            pltpu.make_async_copy(
                tok_hbm.at[pl.ds(0, CHUNK)], rows_v.at[p], semg.at[p]
            ).wait()
            p0 = lax.rem(c * CHUNK, L)
            pltpu.async_copy(
                pos_sp.at[ramp_v.at[pl.ds(p0, CHUNK)]],
                rows_v.at[p],
                sema.at[p],
                add=True,
            )

            @pl.when(c >= 1)
            def _store_prev():
                pm = lax.rem(c + NBUF - 1, NBUF)
                pltpu.make_async_copy(
                    pos_sp.at[pl.ds(0, CHUNK)], rows_v.at[pm], sema.at[pm]
                ).wait()
                pltpu.async_copy(
                    rows_v.at[pm],
                    out_hbm.at[pl.ds(base + (c - 1) * CHUNK, CHUNK)],
                    sems.at[pm],
                )

            @pl.when(c + DEPTH < n_chunks)
            def _prefetch():
                pnext = lax.rem(c + DEPTH, NBUF)

                @pl.when(c >= NBUF - DEPTH)
                def _drain_store():
                    pltpu.make_async_copy(
                        rows_v.at[pnext],
                        out_hbm.at[pl.ds(base, CHUNK)],
                        sems.at[pnext],
                    ).wait()

                pltpu.async_copy(
                    tok_hbm.at[idxs_v.at[c + DEPTH]],
                    rows_v.at[pnext],
                    semg.at[pnext],
                )
            return carry

        lax.fori_loop(0, n_chunks, chunk_body, 0)

        plast = lax.rem(n_chunks - 1, NBUF)
        pltpu.make_async_copy(
            pos_sp.at[pl.ds(0, CHUNK)], rows_v.at[plast], sema.at[plast]
        ).wait()
        pltpu.async_copy(
            rows_v.at[plast],
            out_hbm.at[pl.ds(base + (n_chunks - 1) * CHUNK, CHUNK)],
            sems.at[plast],
        )
        for p in range(NBUF):
            pltpu.make_async_copy(
                rows_v.at[p], out_hbm.at[pl.ds(base, CHUNK)], sems.at[p]
            ).wait()

    return k


def kernel(x, token_table, pos_table):
    B, L = x.shape
    V, D = token_table.shape
    N = B * L
    x2 = x.reshape(N // CHUNK, CHUNK).astype(jnp.int32)
    out = _make_kernel(N, V, L, D)(x2, token_table, pos_table)
    return out.reshape(B, L, D)

# --- scband reference (transcript-rebuilt; emitter-appended) ---
"""Pipeline reference for scband-token-and-position-embedding-10187662426220 (READ-ONLY COPY).

The authoritative reference and input builder live on the scoring server;
editing this copy changes nothing except your own understanding.
"""

import jax, jax.numpy as jnp
import numpy as np

VOCAB = 100000
MAXLEN = 200
EMBED = 128
BATCH = 4096

def setup_inputs(seed: int = 0) -> dict:
    key = jax.random.key(seed)
    k1, k2, k3 = jax.random.split(key, 3)
    x = jax.random.randint(k1, (BATCH, MAXLEN), 0, VOCAB, dtype=jnp.int64 if jax.config.jax_enable_x64 else jnp.int32)
    token_table = jax.random.normal(k2, (VOCAB, EMBED), dtype=jnp.float32) * 0.05
    pos_table = jax.random.normal(k3, (MAXLEN, EMBED), dtype=jnp.float32) * 0.05
    return {"x": x, "token_table": token_table, "pos_table": pos_table}

def reference(x, token_table, pos_table):
    # maxlen = x.shape[-1]; positions = range(maxlen)
    L = x.shape[-1]
    positions = jnp.arange(L)
    pos_emb = jnp.take(pos_table, positions, axis=0)          # [L, D]
    tok_emb = jnp.take(token_table, x, axis=0)                # [B, L, D]
    return tok_emb + pos_emb[None, :, :]

if __name__ == "__main__":
    import jax
    _d = setup_inputs()
    print(jax.jit(kernel)(*tuple(_d.values())))

</pallas_src>

<mosaic_0001>
#map = affine_map<(d0, d1) -> (0, 0)>
module attributes {stable_mosaic.version = 14 : i64} {
  func.func @k(%arg0: i32, %arg1: i32, %arg2: memref<6400x128xi32, #tpu.memory_space<hbm>>, %arg3: memref<100000x128xf32, #tpu.memory_space<hbm>>, %arg4: memref<200x128xf32, #tpu.memory_space<hbm>>, %arg5: memref<819200x128xf32, #tpu.memory_space<hbm>>, %arg6: memref<328x128xf32, #tpu.memory_space<vmem_shared>>, %arg7: memref<200x128xi32, #tpu.memory_space<vmem>>, %arg8: memref<336xi32, #tpu.memory_space<vmem>>, %arg9: memref<5x128x128xf32, #tpu.memory_space<vmem>>, %arg10: memref<5x!tpu.dma_semaphore, #tpu.memory_space<semaphore_mem>>, %arg11: memref<5x!tpu.dma_semaphore, #tpu.memory_space<semaphore_mem>>, %arg12: memref<5x!tpu.dma_semaphore, #tpu.memory_space<semaphore_mem>>) attributes {dimension_semantics = [#tpu.dimension_semantics<core_parallel>, #tpu.dimension_semantics<subcore_parallel>], iteration_bounds = array<i64: 2, 16>, scalar_prefetch = 0 : i64, scratch_operands = 7 : i64, tpu.core_type = #tpu.core_type<sc_vector_subcore>, window_params = [{transform_indices = #map}, {transform_indices = #map}, {transform_indices = #map}, {transform_indices = #map}]} {
    %mul3A = arith.constant 2 : i32
    %mul3A_0 = arith.muli %arg1, %mul3A : i32
    %add3A = arith.addi %mul3A_0, %arg0 : i32
    %mul3A_1 = arith.constant 25600 : i32
    %mul3A_2 = arith.muli %add3A, %mul3A_1 : i32
    %eq3A = arith.constant 0 : i32
    %eq3A_3 = arith.cmpi eq, %arg1, %eq3A : i32
    %convert_element_type3A = arith.extui %eq3A_3 : i1 to i32
    %cond3A = arith.constant 0 : i32
    %cond3A_4 = arith.cmpi ne, %convert_element_type3A, %cond3A : i32
    scf.if %cond3A_4 {
      "tpu.region"() ({
        %run_scoped3A = tpu.sem_alloc : memref<!tpu.dma_semaphore, #tpu.memory_space<semaphore_mem>>
        %dma_start3A_315 = arith.constant 0 : i32
        %dma_start3A_316 = arith.constant 0 : i32
        %dma_start3A_317 = tpu.memref_slice %arg6[%dma_start3A_315, %dma_start3A_316] : memref<328x128xf32, #tpu.memory_space<vmem_shared>> -> memref<200x128xf32, #tpu.memory_space<vmem_shared>>
        tpu.enqueue_dma source(%arg4 : memref<200x128xf32, #tpu.memory_space<hbm>>) target(%dma_start3A_317 : memref<200x128xf32, #tpu.memory_space<vmem_shared>>) target_semaphore(%run_scoped3A : memref<!tpu.dma_semaphore, #tpu.memory_space<semaphore_mem>>)
        %dma_wait3A_318 = arith.constant 0 : i32
        %dma_wait3A_319 = arith.constant 0 : i32
        %dma_wait3A_320 = tpu.memref_slice %arg6[%dma_wait3A_318, %dma_wait3A_319] : memref<328x128xf32, #tpu.memory_space<vmem_shared>> -> memref<200x128xf32, #tpu.memory_space<vmem_shared>>
        tpu.wait_dma2 semaphore(%run_scoped3A : memref<!tpu.dma_semaphore, #tpu.memory_space<semaphore_mem>>) src(%arg4 : memref<200x128xf32, #tpu.memory_space<hbm>>) dst(%dma_wait3A_320 : memref<200x128xf32, #tpu.memory_space<vmem_shared>>)
        tpu.yield
      }) : () -> ()
      "tpu.region"() ({
        %run_scoped3A = tpu.sem_alloc : memref<!tpu.dma_semaphore, #tpu.memory_space<semaphore_mem>>
        %dma_start3A_315 = arith.constant 200 : i32
        %dma_start3A_316 = arith.constant 0 : i32
        %dma_start3A_317 = tpu.memref_slice %arg6[%dma_start3A_315, %dma_start3A_316] : memref<328x128xf32, #tpu.memory_space<vmem_shared>> -> memref<128x128xf32, #tpu.memory_space<vmem_shared>>
        %dma_start3A_318 = arith.constant 0 : i32
        %dma_start3A_319 = arith.constant 0 : i32
        %dma_start3A_320 = tpu.memref_slice %arg4[%dma_start3A_318, %dma_start3A_319] : memref<200x128xf32, #tpu.memory_space<hbm>> -> memref<128x128xf32, #tpu.memory_space<hbm>>
        tpu.enqueue_dma source(%dma_start3A_320 : memref<128x128xf32, #tpu.memory_space<hbm>>) target(%dma_start3A_317 : memref<128x128xf32, #tpu.memory_space<vmem_shared>>) target_semaphore(%run_scoped3A : memref<!tpu.dma_semaphore, #tpu.memory_space<semaphore_mem>>)
        %dma_wait3A_321 = arith.constant 200 : i32
        %dma_wait3A_322 = arith.constant 0 : i32
        %dma_wait3A_323 = tpu.memref_slice %arg6[%dma_wait3A_321, %dma_wait3A_322] : memref<328x128xf32, #tpu.memory_space<vmem_shared>> -> memref<128x128xf32, #tpu.memory_space<vmem_shared>>
        %dma_wait3A_324 = arith.constant 0 : i32
        %dma_wait3A_325 = arith.constant 0 : i32
        %dma_wait3A_326 = tpu.memref_slice %arg4[%dma_wait3A_324, %dma_wait3A_325] : memref<200x128xf32, #tpu.memory_space<hbm>> -> memref<128x128xf32, #tpu.memory_space<hbm>>
        tpu.wait_dma2 semaphore(%run_scoped3A : memref<!tpu.dma_semaphore, #tpu.memory_space<semaphore_mem>>) src(%dma_wait3A_326 : memref<128x128xf32, #tpu.memory_space<hbm>>) dst(%dma_wait3A_323 : memref<128x128xf32, #tpu.memory_space<vmem_shared>>)
        tpu.yield
      }) : () -> ()
    } else {
    }
    %mul3A_5 = arith.constant 200 : i32
    %mul3A_6 = arith.muli %add3A, %mul3A_5 : i32
    "tpu.region"() ({
      %run_scoped3A = tpu.sem_alloc : memref<!tpu.dma_semaphore, #tpu.memory_space<semaphore_mem>>
      %dma_start3A_315 = arith.constant 0 : i32
      %dma_start3A_316 = tpu.memref_slice %arg2[%mul3A_6, %dma_start3A_315] : memref<6400x128xi32, #tpu.memory_space<hbm>> -> memref<200x128xi32, #tpu.memory_space<hbm>>
      %dma_start3A_317 = arith.constant 0 : i32
      %dma_start3A_318 = tpu.memref_slice %arg2[%mul3A_6, %dma_start3A_317] : memref<6400x128xi32, #tpu.memory_space<hbm>> -> memref<200x128xi32, #tpu.memory_space<hbm>>
      tpu.enqueue_dma source(%dma_start3A_318 : memref<200x128xi32, #tpu.memory_space<hbm>>) target(%arg7 : memref<200x128xi32, #tpu.memory_space<vmem>>) target_semaphore(%run_scoped3A : memref<!tpu.dma_semaphore, #tpu.memory_space<semaphore_mem>>)
      %dma_wait3A_319 = arith.constant 0 : i32
      %dma_wait3A_320 = tpu.memref_slice %arg2[%mul3A_6, %dma_wait3A_319] : memref<6400x128xi32, #tpu.memory_space<hbm>> -> memref<200x128xi32, #tpu.memory_space<hbm>>
      %dma_wait3A_321 = arith.constant 0 : i32
      %dma_wait3A_322 = tpu.memref_slice %arg2[%mul3A_6, %dma_wait3A_321] : memref<6400x128xi32, #tpu.memory_space<hbm>> -> memref<200x128xi32, #tpu.memory_space<hbm>>
      tpu.wait_dma2 semaphore(%run_scoped3A : memref<!tpu.dma_semaphore, #tpu.memory_space<semaphore_mem>>) src(%dma_wait3A_322 : memref<200x128xi32, #tpu.memory_space<hbm>>) dst(%arg7 : memref<200x128xi32, #tpu.memory_space<vmem>>)
      tpu.yield
    }) : () -> ()
    %iota3A = tpu.iota {dimensions = array<i32: 0>} : vector<16xi32>
    %add3A_7 = arith.constant 0 : i32
    %add3A_8 = vector.broadcast %add3A_7 : i32 to vector<16xi32>
    %add3A_9 = arith.addi %iota3A, %add3A_8 : vector<16xi32>
    %swap3A = arith.constant 0 : index
    %swap3A_10 = tpu.vector_load %arg8[%swap3A] {strides = array<i32>} : memref<336xi32, #tpu.memory_space<vmem>>, vector<16xi32>,
    %swap3A_11 = vector.shape_cast %swap3A_10 : vector<16xi32> to vector<16xi32>
    %swap3A_12 = vector.shape_cast %add3A_9 : vector<16xi32> to vector<16xi32>
    tpu.vector_store %arg8[%swap3A], %swap3A_12 {strides = array<i32>} : memref<336xi32, #tpu.memory_space<vmem>>, vector<16xi32>,
    %add3A_13 = arith.constant 16 : i32
    %add3A_14 = vector.broadcast %add3A_13 : i32 to vector<16xi32>
    %add3A_15 = arith.addi %iota3A, %add3A_14 : vector<16xi32>
    %swap3A_16 = arith.constant 16 : index
    %swap3A_17 = tpu.vector_load %arg8[%swap3A_16] {strides = array<i32>} : memref<336xi32, #tpu.memory_space<vmem>>, vector<16xi32>,
    %swap3A_18 = vector.shape_cast %swap3A_17 : vector<16xi32> to vector<16xi32>
    %swap3A_19 = vector.shape_cast %add3A_15 : vector<16xi32> to vector<16xi32>
    tpu.vector_store %arg8[%swap3A_16], %swap3A_19 {strides = array<i32>} : memref<336xi32, #tpu.memory_space<vmem>>, vector<16xi32>,
    %add3A_20 = arith.constant 32 : i32
    %add3A_21 = vector.broadcast %add3A_20 : i32 to vector<16xi32>
    %add3A_22 = arith.addi %iota3A, %add3A_21 : vector<16xi32>
    %swap3A_23 = arith.constant 32 : index
    %swap3A_24 = tpu.vector_load %arg8[%swap3A_23] {strides = array<i32>} : memref<336xi32, #tpu.memory_space<vmem>>, vector<16xi32>,
    %swap3A_25 = vector.shape_cast %swap3A_24 : vector<16xi32> to vector<16xi32>
    %swap3A_26 = vector.shape_cast %add3A_22 : vector<16xi32> to vector<16xi32>
    tpu.vector_store %arg8[%swap3A_23], %swap3A_26 {strides = array<i32>} : memref<336xi32, #tpu.memory_space<vmem>>, vector<16xi32>,
    %add3A_27 = arith.constant 48 : i32
    %add3A_28 = vector.broadcast %add3A_27 : i32 to vector<16xi32>
    %add3A_29 = arith.addi %iota3A, %add3A_28 : vector<16xi32>
    %swap3A_30 = arith.constant 48 : index
    %swap3A_31 = tpu.vector_load %arg8[%swap3A_30] {strides = array<i32>} : memref<336xi32, #tpu.memory_space<vmem>>, vector<16xi32>,
    %swap3A_32 = vector.shape_cast %swap3A_31 : vector<16xi32> to vector<16xi32>
    %swap3A_33 = vector.shape_cast %add3A_29 : vector<16xi32> to vector<16xi32>
    tpu.vector_store %arg8[%swap3A_30], %swap3A_33 {strides = array<i32>} : memref<336xi32, #tpu.memory_space<vmem>>, vector<16xi32>,
    %add3A_34 = arith.constant 64 : i32
    %add3A_35 = vector.broadcast %add3A_34 : i32 to vector<16xi32>
    %add3A_36 = arith.addi %iota3A, %add3A_35 : vector<16xi32>
    %swap3A_37 = arith.constant 64 : index
    %swap3A_38 = tpu.vector_load %arg8[%swap3A_37] {strides = array<i32>} : memref<336xi32, #tpu.memory_space<vmem>>, vector<16xi32>,
    %swap3A_39 = vector.shape_cast %swap3A_38 : vector<16xi32> to vector<16xi32>
    %swap3A_40 = vector.shape_cast %add3A_36 : vector<16xi32> to vector<16xi32>
    tpu.vector_store %arg8[%swap3A_37], %swap3A_40 {strides = array<i32>} : memref<336xi32, #tpu.memory_space<vmem>>, vector<16xi32>,
    %add3A_41 = arith.constant 80 : i32
    %add3A_42 = vector.broadcast %add3A_41 : i32 to vector<16xi32>
    %add3A_43 = arith.addi %iota3A, %add3A_42 : vector<16xi32>
    %swap3A_44 = arith.constant 80 : index
    %swap3A_45 = tpu.vector_load %arg8[%swap3A_44] {strides = array<i32>} : memref<336xi32, #tpu.memory_space<vmem>>, vector<16xi32>,
    %swap3A_46 = vector.shape_cast %swap3A_45 : vector<16xi32> to vector<16xi32>
    %swap3A_47 = vector.shape_cast %add3A_43 : vector<16xi32> to vector<16xi32>
    tpu.vector_store %arg8[%swap3A_44], %swap3A_47 {strides = array<i32>} : memref<336xi32, #tpu.memory_space<vmem>>, vector<16xi32>,
    %add3A_48 = arith.constant 96 : i32
    %add3A_49 = vector.broadcast %add3A_48 : i32 to vector<16xi32>
    %add3A_50 = arith.addi %iota3A, %add3A_49 : vector<16xi32>
    %swap3A_51 = arith.constant 96 : index
    %swap3A_52 = tpu.vector_load %arg8[%swap3A_51] {strides = array<i32>} : memref<336xi32, #tpu.memory_space<vmem>>, vector<16xi32>,
    %swap3A_53 = vector.shape_cast %swap3A_52 : vector<16xi32> to vector<16xi32>
    %swap3A_54 = vector.shape_cast %add3A_50 : vector<16xi32> to vector<16xi32>
    tpu.vector_store %arg8[%swap3A_51], %swap3A_54 {strides = array<i32>} : memref<336xi32, #tpu.memory_space<vmem>>, vector<16xi32>,
    %add3A_55 = arith.constant 112 : i32
    %add3A_56 = vector.broadcast %add3A_55 : i32 to vector<16xi32>
    %add3A_57 = arith.addi %iota3A, %add3A_56 : vector<16xi32>
    %swap3A_58 = arith.constant 112 : index
    %swap3A_59 = tpu.vector_load %arg8[%swap3A_58] {strides = array<i32>} : memref<336xi32, #tpu.memory_space<vmem>>, vector<16xi32>,
    %swap3A_60 = vector.shape_cast %swap3A_59 : vector<16xi32> to vector<16xi32>
    %swap3A_61 = vector.shape_cast %add3A_57 : vector<16xi32> to vector<16xi32>
    tpu.vector_store %arg8[%swap3A_58], %swap3A_61 {strides = array<i32>} : memref<336xi32, #tpu.memory_space<vmem>>, vector<16xi32>,
    %add3A_62 = arith.constant 128 : i32
    %add3A_63 = vector.broadcast %add3A_62 : i32 to vector<16xi32>
    %add3A_64 = arith.addi %iota3A, %add3A_63 : vector<16xi32>
    %swap3A_65 = arith.constant 128 : index
    %swap3A_66 = tpu.vector_load %arg8[%swap3A_65] {strides = array<i32>} : memref<336xi32, #tpu.memory_space<vmem>>, vector<16xi32>,
    %swap3A_67 = vector.shape_cast %swap3A_66 : vector<16xi32> to vector<16xi32>
    %swap3A_68 = vector.shape_cast %add3A_64 : vector<16xi32> to vector<16xi32>
    tpu.vector_store %arg8[%swap3A_65], %swap3A_68 {strides = array<i32>} : memref<336xi32, #tpu.memory_space<vmem>>, vector<16xi32>,
    %add3A_69 = arith.constant 144 : i32
    %add3A_70 = vector.broadcast %add3A_69 : i32 to vector<16xi32>
    %add3A_71 = arith.addi %iota3A, %add3A_70 : vector<16xi32>
    %swap3A_72 = arith.constant 144 : index
    %swap3A_73 = tpu.vector_load %arg8[%swap3A_72] {strides = array<i32>} : memref<336xi32, #tpu.memory_space<vmem>>, vector<16xi32>,
    %swap3A_74 = vector.shape_cast %swap3A_73 : vector<16xi32> to vector<16xi32>
    %swap3A_75 = vector.shape_cast %add3A_71 : vector<16xi32> to vector<16xi32>
    tpu.vector_store %arg8[%swap3A_72], %swap3A_75 {strides = array<i32>} : memref<336xi32, #tpu.memory_space<vmem>>, vector<16xi32>,
    %add3A_76 = arith.constant 160 : i32
    %add3A_77 = vector.broadcast %add3A_76 : i32 to vector<16xi32>
    %add3A_78 = arith.addi %iota3A, %add3A_77 : vector<16xi32>
    %swap3A_79 = arith.constant 160 : index
    %swap3A_80 = tpu.vector_load %arg8[%swap3A_79] {strides = array<i32>} : memref<336xi32, #tpu.memory_space<vmem>>, vector<16xi32>,
    %swap3A_81 = vector.shape_cast %swap3A_80 : vector<16xi32> to vector<16xi32>
    %swap3A_82 = vector.shape_cast %add3A_78 : vector<16xi32> to vector<16xi32>
    tpu.vector_store %arg8[%swap3A_79], %swap3A_82 {strides = array<i32>} : memref<336xi32, #tpu.memory_space<vmem>>, vector<16xi32>,
    %add3A_83 = arith.constant 176 : i32
    %add3A_84 = vector.broadcast %add3A_83 : i32 to vector<16xi32>
    %add3A_85 = arith.addi %iota3A, %add3A_84 : vector<16xi32>
    %swap3A_86 = arith.constant 176 : index
    %swap3A_87 = tpu.vector_load %arg8[%swap3A_86] {strides = array<i32>} : memref<336xi32, #tpu.memory_space<vmem>>, vector<16xi32>,
    %swap3A_88 = vector.shape_cast %swap3A_87 : vector<16xi32> to vector<16xi32>
    %swap3A_89 = vector.shape_cast %add3A_85 : vector<16xi32> to vector<16xi32>
    tpu.vector_store %arg8[%swap3A_86], %swap3A_89 {strides = array<i32>} : memref<336xi32, #tpu.memory_space<vmem>>, vector<16xi32>,
    %add3A_90 = arith.constant 192 : i32
    %add3A_91 = vector.broadcast %add3A_90 : i32 to vector<16xi32>
    %add3A_92 = arith.addi %iota3A, %add3A_91 : vector<16xi32>
    %swap3A_93 = arith.constant 192 : index
    %swap3A_94 = tpu.vector_load %arg8[%swap3A_93] {strides = array<i32>} : memref<336xi32, #tpu.memory_space<vmem>>, vector<16xi32>,
    %swap3A_95 = vector.shape_cast %swap3A_94 : vector<16xi32> to vector<16xi32>
    %swap3A_96 = vector.shape_cast %add3A_92 : vector<16xi32> to vector<16xi32>
    tpu.vector_store %arg8[%swap3A_93], %swap3A_96 {strides = array<i32>} : memref<336xi32, #tpu.memory_space<vmem>>, vector<16xi32>,
    %add3A_97 = arith.constant 208 : i32
    %add3A_98 = vector.broadcast %add3A_97 : i32 to vector<16xi32>
    %add3A_99 = arith.addi %iota3A, %add3A_98 : vector<16xi32>
    %swap3A_100 = arith.constant 208 : index
    %swap3A_101 = tpu.vector_load %arg8[%swap3A_100] {strides = array<i32>} : memref<336xi32, #tpu.memory_space<vmem>>, vector<16xi32>,
    %swap3A_102 = vector.shape_cast %swap3A_101 : vector<16xi32> to vector<16xi32>
    %swap3A_103 = vector.shape_cast %add3A_99 : vector<16xi32> to vector<16xi32>
    tpu.vector_store %arg8[%swap3A_100], %swap3A_103 {strides = array<i32>} : memref<336xi32, #tpu.memory_space<vmem>>, vector<16xi32>,
    %add3A_104 = arith.constant 224 : i32
    %add3A_105 = vector.broadcast %add3A_104 : i32 to vector<16xi32>
    %add3A_106 = arith.addi %iota3A, %add3A_105 : vector<16xi32>
    %swap3A_107 = arith.constant 224 : index
    %swap3A_108 = tpu.vector_load %arg8[%swap3A_107] {strides = array<i32>} : memref<336xi32, #tpu.memory_space<vmem>>, vector<16xi32>,
    %swap3A_109 = vector.shape_cast %swap3A_108 : vector<16xi32> to vector<16xi32>
    %swap3A_110 = vector.shape_cast %add3A_106 : vector<16xi32> to vector<16xi32>
    tpu.vector_store %arg8[%swap3A_107], %swap3A_110 {strides = array<i32>} : memref<336xi32, #tpu.memory_space<vmem>>, vector<16xi32>,
    %add3A_111 = arith.constant 240 : i32
    %add3A_112 = vector.broadcast %add3A_111 : i32 to vector<16xi32>
    %add3A_113 = arith.addi %iota3A, %add3A_112 : vector<16xi32>
    %swap3A_114 = arith.constant 240 : index
    %swap3A_115 = tpu.vector_load %arg8[%swap3A_114] {strides = array<i32>} : memref<336xi32, #tpu.memory_space<vmem>>, vector<16xi32>,
    %swap3A_116 = vector.shape_cast %swap3A_115 : vector<16xi32> to vector<16xi32>
    %swap3A_117 = vector.shape_cast %add3A_113 : vector<16xi32> to vector<16xi32>
    tpu.vector_store %arg8[%swap3A_114], %swap3A_117 {strides = array<i32>} : memref<336xi32, #tpu.memory_space<vmem>>, vector<16xi32>,
    %add3A_118 = arith.constant 256 : i32
    %add3A_119 = vector.broadcast %add3A_118 : i32 to vector<16xi32>
    %add3A_120 = arith.addi %iota3A, %add3A_119 : vector<16xi32>
    %swap3A_121 = arith.constant 256 : index
    %swap3A_122 = tpu.vector_load %arg8[%swap3A_121] {strides = array<i32>} : memref<336xi32, #tpu.memory_space<vmem>>, vector<16xi32>,
    %swap3A_123 = vector.shape_cast %swap3A_122 : vector<16xi32> to vector<16xi32>
    %swap3A_124 = vector.shape_cast %add3A_120 : vector<16xi32> to vector<16xi32>
    tpu.vector_store %arg8[%swap3A_121], %swap3A_124 {strides = array<i32>} : memref<336xi32, #tpu.memory_space<vmem>>, vector<16xi32>,
    %add3A_125 = arith.constant 272 : i32
    %add3A_126 = vector.broadcast %add3A_125 : i32 to vector<16xi32>
    %add3A_127 = arith.addi %iota3A, %add3A_126 : vector<16xi32>
    %swap3A_128 = arith.constant 272 : index
    %swap3A_129 = tpu.vector_load %arg8[%swap3A_128] {strides = array<i32>} : memref<336xi32, #tpu.memory_space<vmem>>, vector<16xi32>,
    %swap3A_130 = vector.shape_cast %swap3A_129 : vector<16xi32> to vector<16xi32>
    %swap3A_131 = vector.shape_cast %add3A_127 : vector<16xi32> to vector<16xi32>
    tpu.vector_store %arg8[%swap3A_128], %swap3A_131 {strides = array<i32>} : memref<336xi32, #tpu.memory_space<vmem>>, vector<16xi32>,
    %add3A_132 = arith.constant 288 : i32
    %add3A_133 = vector.broadcast %add3A_132 : i32 to vector<16xi32>
    %add3A_134 = arith.addi %iota3A, %add3A_133 : vector<16xi32>
    %swap3A_135 = arith.constant 288 : index
    %swap3A_136 = tpu.vector_load %arg8[%swap3A_135] {strides = array<i32>} : memref<336xi32, #tpu.memory_space<vmem>>, vector<16xi32>,
    %swap3A_137 = vector.shape_cast %swap3A_136 : vector<16xi32> to vector<16xi32>
    %swap3A_138 = vector.shape_cast %add3A_134 : vector<16xi32> to vector<16xi32>
    tpu.vector_store %arg8[%swap3A_135], %swap3A_138 {strides = array<i32>} : memref<336xi32, #tpu.memory_space<vmem>>, vector<16xi32>,
    %add3A_139 = arith.constant 304 : i32
    %add3A_140 = vector.broadcast %add3A_139 : i32 to vector<16xi32>
    %add3A_141 = arith.addi %iota3A, %add3A_140 : vector<16xi32>
    %swap3A_142 = arith.constant 304 : index
    %swap3A_143 = tpu.vector_load %arg8[%swap3A_142] {strides = array<i32>} : memref<336xi32, #tpu.memory_space<vmem>>, vector<16xi32>,
    %swap3A_144 = vector.shape_cast %swap3A_143 : vector<16xi32> to vector<16xi32>
    %swap3A_145 = vector.shape_cast %add3A_141 : vector<16xi32> to vector<16xi32>
    tpu.vector_store %arg8[%swap3A_142], %swap3A_145 {strides = array<i32>} : memref<336xi32, #tpu.memory_space<vmem>>, vector<16xi32>,
    %add3A_146 = arith.constant 320 : i32
    %add3A_147 = vector.broadcast %add3A_146 : i32 to vector<16xi32>
    %add3A_148 = arith.addi %iota3A, %add3A_147 : vector<16xi32>
    %swap3A_149 = arith.constant 320 : index
    %swap3A_150 = tpu.vector_load %arg8[%swap3A_149] {strides = array<i32>} : memref<336xi32, #tpu.memory_space<vmem>>, vector<16xi32>,
    %swap3A_151 = vector.shape_cast %swap3A_150 : vector<16xi32> to vector<16xi32>
    %swap3A_152 = vector.shape_cast %add3A_148 : vector<16xi32> to vector<16xi32>
    tpu.vector_store %arg8[%swap3A_149], %swap3A_152 {strides = array<i32>} : memref<336xi32, #tpu.memory_space<vmem>>, vector<16xi32>,
    %barrier3A = arith.constant 0 : index
    tpu.barrier barrier_id(%barrier3A)
    %dma_start3A = arith.constant 0 : i32
    %dma_start3A_153 = arith.constant 0 : i32
    %dma_start3A_154 = arith.constant 0 : i32
    %dma_start3A_155 = arith.constant 0 : i32
    %dma_start3A_156 = arith.constant 0 : i32
    %dma_start3A_157 = tpu.memref_slice %arg9[%dma_start3A_153, %dma_start3A_155, %dma_start3A_156] : memref<5x128x128xf32, #tpu.memory_space<vmem>> -> memref<1x128x128xf32, #tpu.memory_space<vmem>>
    %dma_start3A_158 = tpu.memref_squeeze %dma_start3A_157 : memref<1x128x128xf32, #tpu.memory_space<vmem>> -> memref<128x128xf32, #tpu.memory_space<vmem>>
    %dma_start3A_159 = arith.constant 0 : i32
    %dma_start3A_160 = tpu.memref_slice %arg7[%dma_start3A, %dma_start3A_159] : memref<200x128xi32, #tpu.memory_space<vmem>> -> memref<1x128xi32, #tpu.memory_space<vmem>>
    %dma_start3A_161 = tpu.memref_squeeze %dma_start3A_160 : memref<1x128xi32, #tpu.memory_space<vmem>> -> memref<128xi32, #tpu.memory_space<vmem>>
    %dma_start3A_162 = arith.constant 0 : i32
    %dma_start3A_163 = arith.constant 0 : i32
    %dma_start3A_164 = tpu.memref_slice %arg3[%dma_start3A_162, %dma_start3A_163] : memref<100000x128xf32, #tpu.memory_space<hbm>> -> memref<100000x128xf32, #tpu.memory_space<hbm>>
    %dma_start3A_165 = tpu.memref_slice %arg10[%dma_start3A_154] : memref<5x!tpu.dma_semaphore, #tpu.memory_space<semaphore_mem>> -> memref<1x!tpu.dma_semaphore, #tpu.memory_space<semaphore_mem>>
    %dma_start3A_166 = tpu.memref_squeeze %dma_start3A_165 : memref<1x!tpu.dma_semaphore, #tpu.memory_space<semaphore_mem>> -> memref<!tpu.dma_semaphore, #tpu.memory_space<semaphore_mem>>
    tpu.enqueue_indirect_dma source(%dma_start3A_164 : memref<100000x128xf32, #tpu.memory_space<hbm>>) target(%dma_start3A_158 : memref<128x128xf32, #tpu.memory_space<vmem>>) offsets(%dma_start3A_161 : memref<128xi32, #tpu.memory_space<vmem>>) semaphore(%dma_start3A_166 : memref<!tpu.dma_semaphore, #tpu.memory_space<semaphore_mem>>)
    %dma_start3A_167 = arith.constant 1 : i32
    %dma_start3A_168 = arith.constant 1 : i32
    %dma_start3A_169 = arith.constant 1 : i32
    %dma_start3A_170 = arith.constant 0 : i32
    %dma_start3A_171 = arith.constant 0 : i32
    %dma_start3A_172 = tpu.memref_slice %arg9[%dma_start3A_168, %dma_start3A_170, %dma_start3A_171] : memref<5x128x128xf32, #tpu.memory_space<vmem>> -> memref<1x128x128xf32, #tpu.memory_space<vmem>>
    %dma_start3A_173 = tpu.memref_squeeze %dma_start3A_172 : memref<1x128x128xf32, #tpu.memory_space<vmem>> -> memref<128x128xf32, #tpu.memory_space<vmem>>
    %dma_start3A_174 = arith.constant 0 : i32
    %dma_start3A_175 = tpu.memref_slice %arg7[%dma_start3A_167, %dma_start3A_174] : memref<200x128xi32, #tpu.memory_space<vmem>> -> memref<1x128xi32, #tpu.memory_space<vmem>>
    %dma_start3A_176 = tpu.memref_squeeze %dma_start3A_175 : memref<1x128xi32, #tpu.memory_space<vmem>> -> memref<128xi32, #tpu.memory_space<vmem>>
    %dma_start3A_177 = arith.constant 0 : i32
    %dma_start3A_178 = arith.constant 0 : i32
    %dma_start3A_179 = tpu.memref_slice %arg3[%dma_start3A_177, %dma_start3A_178] : memref<100000x128xf32, #tpu.memory_space<hbm>> -> memref<100000x128xf32, #tpu.memory_space<hbm>>
    %dma_start3A_180 = tpu.memref_slice %arg10[%dma_start3A_169] : memref<5x!tpu.dma_semaphore, #tpu.memory_space<semaphore_mem>> -> memref<1x!tpu.dma_semaphore, #tpu.memory_space<semaphore_mem>>
    %dma_start3A_181 = tpu.memref_squeeze %dma_start3A_180 : memref<1x!tpu.dma_semaphore, #tpu.memory_space<semaphore_mem>> -> memref<!tpu.dma_semaphore, #tpu.memory_space<semaphore_mem>>
    tpu.enqueue_indirect_dma source(%dma_start3A_179 : memref<100000x128xf32, #tpu.memory_space<hbm>>) target(%dma_start3A_173 : memref<128x128xf32, #tpu.memory_space<vmem>>) offsets(%dma_start3A_176 : memref<128xi32, #tpu.memory_space<vmem>>) semaphore(%dma_start3A_181 : memref<!tpu.dma_semaphore, #tpu.memory_space<semaphore_mem>>)
    %dma_start3A_182 = arith.constant 2 : i32
    %dma_start3A_183 = arith.constant 2 : i32
    %dma_start3A_184 = arith.constant 2 : i32
    %dma_start3A_185 = arith.constant 0 : i32
    %dma_start3A_186 = arith.constant 0 : i32
    %dma_start3A_187 = tpu.memref_slice %arg9[%dma_start3A_183, %dma_start3A_185, %dma_start3A_186] : memref<5x128x128xf32, #tpu.memory_space<vmem>> -> memref<1x128x128xf32, #tpu.memory_space<vmem>>
    %dma_start3A_188 = tpu.memref_squeeze %dma_start3A_187 : memref<1x128x128xf32, #tpu.memory_space<vmem>> -> memref<128x128xf32, #tpu.memory_space<vmem>>
    %dma_start3A_189 = arith.constant 0 : i32
    %dma_start3A_190 = tpu.memref_slice %arg7[%dma_start3A_182, %dma_start3A_189] : memref<200x128xi32, #tpu.memory_space<vmem>> -> memref<1x128xi32, #tpu.memory_space<vmem>>
    %dma_start3A_191 = tpu.memref_squeeze %dma_start3A_190 : memref<1x128xi32, #tpu.memory_space<vmem>> -> memref<128xi32, #tpu.memory_space<vmem>>
    %dma_start3A_192 = arith.constant 0 : i32
    %dma_start3A_193 = arith.constant 0 : i32
    %dma_start3A_194 = tpu.memref_slice %arg3[%dma_start3A_192, %dma_start3A_193] : memref<100000x128xf32, #tpu.memory_space<hbm>> -> memref<100000x128xf32, #tpu.memory_space<hbm>>
    %dma_start3A_195 = tpu.memref_slice %arg10[%dma_start3A_184] : memref<5x!tpu.dma_semaphore, #tpu.memory_space<semaphore_mem>> -> memref<1x!tpu.dma_semaphore, #tpu.memory_space<semaphore_mem>>
    %dma_start3A_196 = tpu.memref_squeeze %dma_start3A_195 : memref<1x!tpu.dma_semaphore, #tpu.memory_space<semaphore_mem>> -> memref<!tpu.dma_semaphore, #tpu.memory_space<semaphore_mem>>
    tpu.enqueue_indirect_dma source(%dma_start3A_194 : memref<100000x128xf32, #tpu.memory_space<hbm>>) target(%dma_start3A_188 : memref<128x128xf32, #tpu.memory_space<vmem>>) offsets(%dma_start3A_191 : memref<128xi32, #tpu.memory_space<vmem>>) semaphore(%dma_start3A_196 : memref<!tpu.dma_semaphore, #tpu.memory_space<semaphore_mem>>)
    %scan3A = arith.constant 0 : i32
    %scan3A_197 = arith.constant 0 : i32
    %scan3A_198 = arith.constant 200 : i32
    %scan3A_199 = arith.addi %scan3A_197, %scan3A_198 : i32
    %scan3A_200 = arith.constant 1 : i32
    scf.for %scan3A_315 = %scan3A_197 to %scan3A_199 step %scan3A_200  : i32 {
      %rem3A_316 = arith.constant 5 : i32
      %rem3A_317 = arith.remsi %scan3A_315, %rem3A_316 : i32
      %dma_wait3A_318 = arith.constant 0 : i32
      %dma_wait3A_319 = arith.constant 0 : i32
      %dma_wait3A_320 = tpu.memref_slice %arg9[%rem3A_317, %dma_wait3A_318, %dma_wait3A_319] : memref<5x128x128xf32, #tpu.memory_space<vmem>> -> memref<1x128x128xf32, #tpu.memory_space<vmem>>
      %dma_wait3A_321 = tpu.memref_squeeze %dma_wait3A_320 : memref<1x128x128xf32, #tpu.memory_space<vmem>> -> memref<128x128xf32, #tpu.memory_space<vmem>>
      %dma_wait3A_322 = arith.constant 0 : i32
      %dma_wait3A_323 = arith.constant 0 : i32
      %dma_wait3A_324 = tpu.memref_slice %arg3[%dma_wait3A_322, %dma_wait3A_323] : memref<100000x128xf32, #tpu.memory_space<hbm>> -> memref<128x128xf32, #tpu.memory_space<hbm>>
      %dma_wait3A_325 = tpu.memref_slice %arg10[%rem3A_317] : memref<5x!tpu.dma_semaphore, #tpu.memory_space<semaphore_mem>> -> memref<1x!tpu.dma_semaphore, #tpu.memory_space<semaphore_mem>>
      %dma_wait3A_326 = tpu.memref_squeeze %dma_wait3A_325 : memref<1x!tpu.dma_semaphore, #tpu.memory_space<semaphore_mem>> -> memref<!tpu.dma_semaphore, #tpu.memory_space<semaphore_mem>>
      %dma_wait3A_327 = arith.constant 0 : i32
      %dma_wait3A_328 = arith.constant 0 : i32
      %dma_wait3A_329 = tpu.memref_slice %arg9[%rem3A_317, %dma_wait3A_327, %dma_wait3A_328] : memref<5x128x128xf32, #tpu.memory_space<vmem>> -> memref<1x128x128xf32, #tpu.memory_space<vmem>>
      %dma_wait3A_330 = tpu.memref_squeeze %dma_wait3A_329 : memref<1x128x128xf32, #tpu.memory_space<vmem>> -> memref<128x128xf32, #tpu.memory_space<vmem>>
      %dma_wait3A_331 = arith.constant 0 : i32
      %dma_wait3A_332 = arith.constant 0 : i32
      %dma_wait3A_333 = tpu.memref_slice %arg3[%dma_wait3A_331, %dma_wait3A_332] : memref<100000x128xf32, #tpu.memory_space<hbm>> -> memref<128x128xf32, #tpu.memory_space<hbm>>
      tpu.wait_dma2 semaphore(%dma_wait3A_326 : memref<!tpu.dma_semaphore, #tpu.memory_space<semaphore_mem>>) src(%dma_wait3A_333 : memref<128x128xf32, #tpu.memory_space<hbm>>) dst(%dma_wait3A_330 : memref<128x128xf32, #tpu.memory_space<vmem>>)
      %mul3A_334 = arith.constant 128 : i32
      %mul3A_335 = arith.muli %scan3A_315, %mul3A_334 : i32
      %rem3A_336 = arith.constant 200 : i32
      %rem3A_337 = arith.remsi %mul3A_335, %rem3A_336 : i32
      %dma_start3A_338 = arith.constant 0 : i32
      %dma_start3A_339 = arith.constant 0 : i32
      %dma_start3A_340 = tpu.memref_slice %arg9[%rem3A_317, %dma_start3A_338, %dma_start3A_339] : memref<5x128x128xf32, #tpu.memory_space<vmem>> -> memref<1x128x128xf32, #tpu.memory_space<vmem>>
      %dma_start3A_341 = tpu.memref_squeeze %dma_start3A_340 : memref<1x128x128xf32, #tpu.memory_space<vmem>> -> memref<128x128xf32, #tpu.memory_space<vmem>>
      %dma_start3A_342 = tpu.memref_slice %arg8[%rem3A_337] : memref<336xi32, #tpu.memory_space<vmem>> -> memref<128xi32, #tpu.memory_space<vmem>>
      %dma_start3A_343 = arith.constant 0 : i32
      %dma_start3A_344 = arith.constant 0 : i32
      %dma_start3A_345 = tpu.memref_slice %arg6[%dma_start3A_343, %dma_start3A_344] : memref<328x128xf32, #tpu.memory_space<vmem_shared>> -> memref<328x128xf32, #tpu.memory_space<vmem_shared>>
      %dma_start3A_346 = tpu.memref_slice %arg11[%rem3A_317] : memref<5x!tpu.dma_semaphore, #tpu.memory_space<semaphore_mem>> -> memref<1x!tpu.dma_semaphore, #tpu.memory_space<semaphore_mem>>
      %dma_start3A_347 = tpu.memref_squeeze %dma_start3A_346 : memref<1x!tpu.dma_semaphore, #tpu.memory_space<semaphore_mem>> -> memref<!tpu.dma_semaphore, #tpu.memory_space<semaphore_mem>>
      tpu.enqueue_indirect_dma source(%dma_start3A_345 : memref<328x128xf32, #tpu.memory_space<vmem_shared>>) target(%dma_start3A_341 : memref<128x128xf32, #tpu.memory_space<vmem>>) offsets(%dma_start3A_342 : memref<128xi32, #tpu.memory_space<vmem>>) semaphore(%dma_start3A_347 : memref<!tpu.dma_semaphore, #tpu.memory_space<semaphore_mem>>) {add = true}
      %ge3A = arith.constant 1 : i32
      %ge3A_348 = arith.cmpi sge, %scan3A_315, %ge3A : i32
      %convert_element_type3A_349 = arith.extui %ge3A_348 : i1 to i32
      %cond3A_350 = arith.constant 0 : i32
      %cond3A_351 = arith.cmpi ne, %convert_element_type3A_349, %cond3A_350 : i32
      scf.if %cond3A_351 {
        %add3A_358 = arith.constant 5 : i32
        %add3A_359 = arith.addi %scan3A_315, %add3A_358 : i32
        %sub3A = arith.constant 1 : i32
        %sub3A_360 = arith.subi %add3A_359, %sub3A : i32
        %rem3A_361 = arith.constant 5 : i32
        %rem3A_362 = arith.remsi %sub3A_360, %rem3A_361 : i32
        %dma_wait3A_363 = arith.constant 0 : i32
        %dma_wait3A_364 = arith.constant 0 : i32
        %dma_wait3A_365 = tpu.memref_slice %arg9[%rem3A_362, %dma_wait3A_363, %dma_wait3A_364] : memref<5x128x128xf32, #tpu.memory_space<vmem>> -> memref<1x128x128xf32, #tpu.memory_space<vmem>>
        %dma_wait3A_366 = tpu.memref_squeeze %dma_wait3A_365 : memref<1x128x128xf32, #tpu.memory_space<vmem>> -> memref<128x128xf32, #tpu.memory_space<vmem>>
        %dma_wait3A_367 = arith.constant 0 : i32
        %dma_wait3A_368 = arith.constant 0 : i32
        %dma_wait3A_369 = tpu.memref_slice %arg6[%dma_wait3A_367, %dma_wait3A_368] : memref<328x128xf32, #tpu.memory_space<vmem_shared>> -> memref<128x128xf32, #tpu.memory_space<vmem_shared>>
        %dma_wait3A_370 = tpu.memref_slice %arg11[%rem3A_362] : memref<5x!tpu.dma_semaphore, #tpu.memory_space<semaphore_mem>> -> memref<1x!tpu.dma_semaphore, #tpu.memory_space<semaphore_mem>>
        %dma_wait3A_371 = tpu.memref_squeeze %dma_wait3A_370 : memref<1x!tpu.dma_semaphore, #tpu.memory_space<semaphore_mem>> -> memref<!tpu.dma_semaphore, #tpu.memory_space<semaphore_mem>>
        %dma_wait3A_372 = arith.constant 0 : i32
        %dma_wait3A_373 = arith.constant 0 : i32
        %dma_wait3A_374 = tpu.memref_slice %arg9[%rem3A_362, %dma_wait3A_372, %dma_wait3A_373] : memref<5x128x128xf32, #tpu.memory_space<vmem>> -> memref<1x128x128xf32, #tpu.memory_space<vmem>>
        %dma_wait3A_375 = tpu.memref_squeeze %dma_wait3A_374 : memref<1x128x128xf32, #tpu.memory_space<vmem>> -> memref<128x128xf32, #tpu.memory_space<vmem>>
        %dma_wait3A_376 = arith.constant 0 : i32
        %dma_wait3A_377 = arith.constant 0 : i32
        %dma_wait3A_378 = tpu.memref_slice %arg6[%dma_wait3A_376, %dma_wait3A_377] : memref<328x128xf32, #tpu.memory_space<vmem_shared>> -> memref<128x128xf32, #tpu.memory_space<vmem_shared>>
        tpu.wait_dma2 semaphore(%dma_wait3A_371 : memref<!tpu.dma_semaphore, #tpu.memory_space<semaphore_mem>>) src(%dma_wait3A_378 : memref<128x128xf32, #tpu.memory_space<vmem_shared>>) dst(%dma_wait3A_375 : memref<128x128xf32, #tpu.memory_space<vmem>>)
        %sub3A_379 = arith.constant 1 : i32
        %sub3A_380 = arith.subi %scan3A_315, %sub3A_379 : i32
        %mul3A_381 = arith.constant 128 : i32
        %mul3A_382 = arith.muli %sub3A_380, %mul3A_381 : i32
        %add3A_383 = arith.addi %mul3A_2, %mul3A_382 : i32
        %dma_start3A_384 = arith.constant 0 : i32
        %dma_start3A_385 = arith.constant 0 : i32
        %dma_start3A_386 = tpu.memref_slice %arg9[%rem3A_362, %dma_start3A_384, %dma_start3A_385] : memref<5x128x128xf32, #tpu.memory_space<vmem>> -> memref<1x128x128xf32, #tpu.memory_space<vmem>>
        %dma_start3A_387 = tpu.memref_squeeze %dma_start3A_386 : memref<1x128x128xf32, #tpu.memory_space<vmem>> -> memref<128x128xf32, #tpu.memory_space<vmem>>
        %dma_start3A_388 = arith.constant 0 : i32
        %dma_start3A_389 = tpu.memref_slice %arg5[%add3A_383, %dma_start3A_388] : memref<819200x128xf32, #tpu.memory_space<hbm>> -> memref<128x128xf32, #tpu.memory_space<hbm>>
        %dma_start3A_390 = tpu.memref_slice %arg12[%rem3A_362] : memref<5x!tpu.dma_semaphore, #tpu.memory_space<semaphore_mem>> -> memref<1x!tpu.dma_semaphore, #tpu.memory_space<semaphore_mem>>
        %dma_start3A_391 = tpu.memref_squeeze %dma_start3A_390 : memref<1x!tpu.dma_semaphore, #tpu.memory_space<semaphore_mem>> -> memref<!tpu.dma_semaphore, #tpu.memory_space<semaphore_mem>>
        %dma_start3A_392 = arith.constant 0 : i32
        %dma_start3A_393 = tpu.memref_slice %arg5[%add3A_383, %dma_start3A_392] : memref<819200x128xf32, #tpu.memory_space<hbm>> -> memref<128x128xf32, #tpu.memory_space<hbm>>
        %dma_start3A_394 = arith.constant 0 : i32
        %dma_start3A_395 = arith.constant 0 : i32
        %dma_start3A_396 = tpu.memref_slice %arg9[%rem3A_362, %dma_start3A_394, %dma_start3A_395] : memref<5x128x128xf32, #tpu.memory_space<vmem>> -> memref<1x128x128xf32, #tpu.memory_space<vmem>>
        %dma_start3A_397 = tpu.memref_squeeze %dma_start3A_396 : memref<1x128x128xf32, #tpu.memory_space<vmem>> -> memref<128x128xf32, #tpu.memory_space<vmem>>
        tpu.enqueue_dma source(%dma_start3A_397 : memref<128x128xf32, #tpu.memory_space<vmem>>) target(%dma_start3A_393 : memref<128x128xf32, #tpu.memory_space<hbm>>) target_semaphore(%dma_start3A_391 : memref<!tpu.dma_semaphore, #tpu.memory_space<semaphore_mem>>)
      } else {
      }
      %add3A_352 = arith.constant 3 : i32
      %add3A_353 = arith.addi %scan3A_315, %add3A_352 : i32
      %lt3A = arith.constant 200 : i32
      %lt3A_354 = arith.cmpi slt, %add3A_353, %lt3A : i32
      %convert_element_type3A_355 = arith.extui %lt3A_354 : i1 to i32
      %cond3A_356 = arith.constant 0 : i32
      %cond3A_357 = arith.cmpi ne, %convert_element_type3A_355, %cond3A_356 : i32
      scf.if %cond3A_357 {
        %add3A_358 = arith.constant 3 : i32
        %add3A_359 = arith.addi %scan3A_315, %add3A_358 : i32
        %rem3A_360 = arith.constant 5 : i32
        %rem3A_361 = arith.remsi %add3A_359, %rem3A_360 : i32
        %ge3A_362 = arith.constant 2 : i32
        %ge3A_363 = arith.cmpi sge, %scan3A_315, %ge3A_362 : i32
        %convert_element_type3A_364 = arith.extui %ge3A_363 : i1 to i32
        %cond3A_365 = arith.constant 0 : i32
        %cond3A_366 = arith.cmpi ne, %convert_element_type3A_364, %cond3A_365 : i32
        scf.if %cond3A_366 {
          %dma_wait3A_381 = arith.constant 0 : i32
          %dma_wait3A_382 = arith.constant 0 : i32
          %dma_wait3A_383 = tpu.memref_slice %arg9[%rem3A_361, %dma_wait3A_381, %dma_wait3A_382] : memref<5x128x128xf32, #tpu.memory_space<vmem>> -> memref<1x128x128xf32, #tpu.memory_space<vmem>>
          %dma_wait3A_384 = tpu.memref_squeeze %dma_wait3A_383 : memref<1x128x128xf32, #tpu.memory_space<vmem>> -> memref<128x128xf32, #tpu.memory_space<vmem>>
          %dma_wait3A_385 = arith.constant 0 : i32
          %dma_wait3A_386 = tpu.memref_slice %arg5[%mul3A_2, %dma_wait3A_385] : memref<819200x128xf32, #tpu.memory_space<hbm>> -> memref<128x128xf32, #tpu.memory_space<hbm>>
          %dma_wait3A_387 = tpu.memref_slice %arg12[%rem3A_361] : memref<5x!tpu.dma_semaphore, #tpu.memory_space<semaphore_mem>> -> memref<1x!tpu.dma_semaphore, #tpu.memory_space<semaphore_mem>>
          %dma_wait3A_388 = tpu.memref_squeeze %dma_wait3A_387 : memref<1x!tpu.dma_semaphore, #tpu.memory_space<semaphore_mem>> -> memref<!tpu.dma_semaphore, #tpu.memory_space<semaphore_mem>>
          %dma_wait3A_389 = arith.constant 0 : i32
          %dma_wait3A_390 = tpu.memref_slice %arg5[%mul3A_2, %dma_wait3A_389] : memref<819200x128xf32, #tpu.memory_space<hbm>> -> memref<128x128xf32, #tpu.memory_space<hbm>>
          %dma_wait3A_391 = arith.constant 0 : i32
          %dma_wait3A_392 = arith.constant 0 : i32
          %dma_wait3A_393 = tpu.memref_slice %arg9[%rem3A_361, %dma_wait3A_391, %dma_wait3A_392] : memref<5x128x128xf32, #tpu.memory_space<vmem>> -> memref<1x128x128xf32, #tpu.memory_space<vmem>>
          %dma_wait3A_394 = tpu.memref_squeeze %dma_wait3A_393 : memref<1x128x128xf32, #tpu.memory_space<vmem>> -> memref<128x128xf32, #tpu.memory_space<vmem>>
          tpu.wait_dma2 semaphore(%dma_wait3A_388 : memref<!tpu.dma_semaphore, #tpu.memory_space<semaphore_mem>>) src(%dma_wait3A_394 : memref<128x128xf32, #tpu.memory_space<vmem>>) dst(%dma_wait3A_390 : memref<128x128xf32, #tpu.memory_space<hbm>>)
        } else {
        }
        %add3A_367 = arith.constant 3 : i32
        %add3A_368 = arith.addi %scan3A_315, %add3A_367 : i32
        %dma_start3A_369 = arith.constant 0 : i32
        %dma_start3A_370 = arith.constant 0 : i32
        %dma_start3A_371 = tpu.memref_slice %arg9[%rem3A_361, %dma_start3A_369, %dma_start3A_370] : memref<5x128x128xf32, #tpu.memory_space<vmem>> -> memref<1x128x128xf32, #tpu.memory_space<vmem>>
        %dma_start3A_372 = tpu.memref_squeeze %dma_start3A_371 : memref<1x128x128xf32, #tpu.memory_space<vmem>> -> memref<128x128xf32, #tpu.memory_space<vmem>>
        %dma_start3A_373 = arith.constant 0 : i32
        %dma_start3A_374 = tpu.memref_slice %arg7[%add3A_368, %dma_start3A_373] : memref<200x128xi32, #tpu.memory_space<vmem>> -> memref<1x128xi32, #tpu.memory_space<vmem>>
        %dma_start3A_375 = tpu.memref_squeeze %dma_start3A_374 : memref<1x128xi32, #tpu.memory_space<vmem>> -> memref<128xi32, #tpu.memory_space<vmem>>
        %dma_start3A_376 = arith.constant 0 : i32
        %dma_start3A_377 = arith.constant 0 : i32
        %dma_start3A_378 = tpu.memref_slice %arg3[%dma_start3A_376, %dma_start3A_377] : memref<100000x128xf32, #tpu.memory_space<hbm>> -> memref<100000x128xf32, #tpu.memory_space<hbm>>
        %dma_start3A_379 = tpu.memref_slice %arg10[%rem3A_361] : memref<5x!tpu.dma_semaphore, #tpu.memory_space<semaphore_mem>> -> memref<1x!tpu.dma_semaphore, #tpu.memory_space<semaphore_mem>>
        %dma_start3A_380 = tpu.memref_squeeze %dma_start3A_379 : memref<1x!tpu.dma_semaphore, #tpu.memory_space<semaphore_mem>> -> memref<!tpu.dma_semaphore, #tpu.memory_space<semaphore_mem>>
        tpu.enqueue_indirect_dma source(%dma_start3A_378 : memref<100000x128xf32, #tpu.memory_space<hbm>>) target(%dma_start3A_372 : memref<128x128xf32, #tpu.memory_space<vmem>>) offsets(%dma_start3A_375 : memref<128xi32, #tpu.memory_space<vmem>>) semaphore(%dma_start3A_380 : memref<!tpu.dma_semaphore, #tpu.memory_space<semaphore_mem>>)
      } else {
      }
    }
    %scan3A_201 = arith.constant 200 : i32
    %rem3A = arith.constant 199 : i32
    %rem3A_202 = arith.constant 5 : i32
    %rem3A_203 = arith.remsi %rem3A, %rem3A_202 : i32
    %dma_wait3A = arith.constant 0 : i32
    %dma_wait3A_204 = arith.constant 0 : i32
    %dma_wait3A_205 = tpu.memref_slice %arg9[%rem3A_203, %dma_wait3A, %dma_wait3A_204] : memref<5x128x128xf32, #tpu.memory_space<vmem>> -> memref<1x128x128xf32, #tpu.memory_space<vmem>>
    %dma_wait3A_206 = tpu.memref_squeeze %dma_wait3A_205 : memref<1x128x128xf32, #tpu.memory_space<vmem>> -> memref<128x128xf32, #tpu.memory_space<vmem>>
    %dma_wait3A_207 = arith.constant 0 : i32
    %dma_wait3A_208 = arith.constant 0 : i32
    %dma_wait3A_209 = tpu.memref_slice %arg6[%dma_wait3A_207, %dma_wait3A_208] : memref<328x128xf32, #tpu.memory_space<vmem_shared>> -> memref<128x128xf32, #tpu.memory_space<vmem_shared>>
    %dma_wait3A_210 = tpu.memref_slice %arg11[%rem3A_203] : memref<5x!tpu.dma_semaphore, #tpu.memory_space<semaphore_mem>> -> memref<1x!tpu.dma_semaphore, #tpu.memory_space<semaphore_mem>>
    %dma_wait3A_211 = tpu.memref_squeeze %dma_wait3A_210 : memref<1x!tpu.dma_semaphore, #tpu.memory_space<semaphore_mem>> -> memref<!tpu.dma_semaphore, #tpu.memory_space<semaphore_mem>>
    %dma_wait3A_212 = arith.constant 0 : i32
    %dma_wait3A_213 = arith.constant 0 : i32
    %dma_wait3A_214 = tpu.memref_slice %arg9[%rem3A_203, %dma_wait3A_212, %dma_wait3A_213] : memref<5x128x128xf32, #tpu.memory_space<vmem>> -> memref<1x128x128xf32, #tpu.memory_space<vmem>>
    %dma_wait3A_215 = tpu.memref_squeeze %dma_wait3A_214 : memref<1x128x128xf32, #tpu.memory_space<vmem>> -> memref<128x128xf32, #tpu.memory_space<vmem>>
    %dma_wait3A_216 = arith.constant 0 : i32
    %dma_wait3A_217 = arith.constant 0 : i32
    %dma_wait3A_218 = tpu.memref_slice %arg6[%dma_wait3A_216, %dma_wait3A_217] : memref<328x128xf32, #tpu.memory_space<vmem_shared>> -> memref<128x128xf32, #tpu.memory_space<vmem_shared>>
    tpu.wait_dma2 semaphore(%dma_wait3A_211 : memref<!tpu.dma_semaphore, #tpu.memory_space<semaphore_mem>>) src(%dma_wait3A_218 : memref<128x128xf32, #tpu.memory_space<vmem_shared>>) dst(%dma_wait3A_215 : memref<128x128xf32, #tpu.memory_space<vmem>>)
    %add3A_219 = arith.constant 25472 : i32
    %add3A_220 = arith.addi %mul3A_2, %add3A_219 : i32
    %dma_start3A_221 = arith.constant 0 : i32
    %dma_start3A_222 = arith.constant 0 : i32
    %dma_start3A_223 = tpu.memref_slice %arg9[%rem3A_203, %dma_start3A_221, %dma_start3A_222] : memref<5x128x128xf32, #tpu.memory_space<vmem>> -> memref<1x128x128xf32, #tpu.memory_space<vmem>>
    %dma_start3A_224 = tpu.memref_squeeze %dma_start3A_223 : memref<1x128x128xf32, #tpu.memory_space<vmem>> -> memref<128x128xf32, #tpu.memory_space<vmem>>
    %dma_start3A_225 = arith.constant 0 : i32
    %dma_start3A_226 = tpu.memref_slice %arg5[%add3A_220, %dma_start3A_225] : memref<819200x128xf32, #tpu.memory_space<hbm>> -> memref<128x128xf32, #tpu.memory_space<hbm>>
    %dma_start3A_227 = tpu.memref_slice %arg12[%rem3A_203] : memref<5x!tpu.dma_semaphore, #tpu.memory_space<semaphore_mem>> -> memref<1x!tpu.dma_semaphore, #tpu.memory_space<semaphore_mem>>
    %dma_start3A_228 = tpu.memref_squeeze %dma_start3A_227 : memref<1x!tpu.dma_semaphore, #tpu.memory_space<semaphore_mem>> -> memref<!tpu.dma_semaphore, #tpu.memory_space<semaphore_mem>>
    %dma_start3A_229 = arith.constant 0 : i32
    %dma_start3A_230 = tpu.memref_slice %arg5[%add3A_220, %dma_start3A_229] : memref<819200x128xf32, #tpu.memory_space<hbm>> -> memref<128x128xf32, #tpu.memory_space<hbm>>
    %dma_start3A_231 = arith.constant 0 : i32
    %dma_start3A_232 = arith.constant 0 : i32
    %dma_start3A_233 = tpu.memref_slice %arg9[%rem3A_203, %dma_start3A_231, %dma_start3A_232] : memref<5x128x128xf32, #tpu.memory_space<vmem>> -> memref<1x128x128xf32, #tpu.memory_space<vmem>>
    %dma_start3A_234 = tpu.memref_squeeze %dma_start3A_233 : memref<1x128x128xf32, #tpu.memory_space<vmem>> -> memref<128x128xf32, #tpu.memory_space<vmem>>
    tpu.enqueue_dma source(%dma_start3A_234 : memref<128x128xf32, #tpu.memory_space<vmem>>) target(%dma_start3A_230 : memref<128x128xf32, #tpu.memory_space<hbm>>) target_semaphore(%dma_start3A_228 : memref<!tpu.dma_semaphore, #tpu.memory_space<semaphore_mem>>)
    %dma_wait3A_235 = arith.constant 0 : i32
    %dma_wait3A_236 = arith.constant 0 : i32
    %dma_wait3A_237 = arith.constant 0 : i32
    %dma_wait3A_238 = arith.constant 0 : i32
    %dma_wait3A_239 = tpu.memref_slice %arg9[%dma_wait3A_235, %dma_wait3A_237, %dma_wait3A_238] : memref<5x128x128xf32, #tpu.memory_space<vmem>> -> memref<1x128x128xf32, #tpu.memory_space<vmem>>
    %dma_wait3A_240 = tpu.memref_squeeze %dma_wait3A_239 : memref<1x128x128xf32, #tpu.memory_space<vmem>> -> memref<128x128xf32, #tpu.memory_space<vmem>>
    %dma_wait3A_241 = arith.constant 0 : i32
    %dma_wait3A_242 = tpu.memref_slice %arg5[%mul3A_2, %dma_wait3A_241] : memref<819200x128xf32, #tpu.memory_space<hbm>> -> memref<128x128xf32, #tpu.memory_space<hbm>>
    %dma_wait3A_243 = tpu.memref_slice %arg12[%dma_wait3A_236] : memref<5x!tpu.dma_semaphore, #tpu.memory_space<semaphore_mem>> -> memref<1x!tpu.dma_semaphore, #tpu.memory_space<semaphore_mem>>
    %dma_wait3A_244 = tpu.memref_squeeze %dma_wait3A_243 : memref<1x!tpu.dma_semaphore, #tpu.memory_space<semaphore_mem>> -> memref<!tpu.dma_semaphore, #tpu.memory_space<semaphore_mem>>
    %dma_wait3A_245 = arith.constant 0 : i32
    %dma_wait3A_246 = tpu.memref_slice %arg5[%mul3A_2, %dma_wait3A_245] : memref<819200x128xf32, #tpu.memory_space<hbm>> -> memref<128x128xf32, #tpu.memory_space<hbm>>
    %dma_wait3A_247 = arith.constant 0 : i32
    %dma_wait3A_248 = arith.constant 0 : i32
    %dma_wait3A_249 = tpu.memref_slice %arg9[%dma_wait3A_235, %dma_wait3A_247, %dma_wait3A_248] : memref<5x128x128xf32, #tpu.memory_space<vmem>> -> memref<1x128x128xf32, #tpu.memory_space<vmem>>
    %dma_wait3A_250 = tpu.memref_squeeze %dma_wait3A_249 : memref<1x128x128xf32, #tpu.memory_space<vmem>> -> memref<128x128xf32, #tpu.memory_space<vmem>>
    tpu.wait_dma2 semaphore(%dma_wait3A_244 : memref<!tpu.dma_semaphore, #tpu.memory_space<semaphore_mem>>) src(%dma_wait3A_250 : memref<128x128xf32, #tpu.memory_space<vmem>>) dst(%dma_wait3A_246 : memref<128x128xf32, #tpu.memory_space<hbm>>)
    %dma_wait3A_251 = arith.constant 1 : i32
    %dma_wait3A_252 = arith.constant 1 : i32
    %dma_wait3A_253 = arith.constant 0 : i32
    %dma_wait3A_254 = arith.constant 0 : i32
    %dma_wait3A_255 = tpu.memref_slice %arg9[%dma_wait3A_251, %dma_wait3A_253, %dma_wait3A_254] : memref<5x128x128xf32, #tpu.memory_space<vmem>> -> memref<1x128x128xf32, #tpu.memory_space<vmem>>
    %dma_wait3A_256 = tpu.memref_squeeze %dma_wait3A_255 : memref<1x128x128xf32, #tpu.memory_space<vmem>> -> memref<128x128xf32, #tpu.memory_space<vmem>>
    %dma_wait3A_257 = arith.constant 0 : i32
    %dma_wait3A_258 = tpu.memref_slice %arg5[%mul3A_2, %dma_wait3A_257] : memref<819200x128xf32, #tpu.memory_space<hbm>> -> memref<128x128xf32, #tpu.memory_space<hbm>>
    %dma_wait3A_259 = tpu.memref_slice %arg12[%dma_wait3A_252] : memref<5x!tpu.dma_semaphore, #tpu.memory_space<semaphore_mem>> -> memref<1x!tpu.dma_semaphore, #tpu.memory_space<semaphore_mem>>
    %dma_wait3A_260 = tpu.memref_squeeze %dma_wait3A_259 : memref<1x!tpu.dma_semaphore, #tpu.memory_space<semaphore_mem>> -> memref<!tpu.dma_semaphore, #tpu.memory_space<semaphore_mem>>
    %dma_wait3A_261 = arith.constant 0 : i32
    %dma_wait3A_262 = tpu.memref_slice %arg5[%mul3A_2, %dma_wait3A_261] : memref<819200x128xf32, #tpu.memory_space<hbm>> -> memref<128x128xf32, #tpu.memory_space<hbm>>
    %dma_wait3A_263 = arith.constant 0 : i32
    %dma_wait3A_264 = arith.constant 0 : i32
    %dma_wait3A_265 = tpu.memref_slice %arg9[%dma_wait3A_251, %dma_wait3A_263, %dma_wait3A_264] : memref<5x128x128xf32, #tpu.memory_space<vmem>> -> memref<1x128x128xf32, #tpu.memory_space<vmem>>
    %dma_wait3A_266 = tpu.memref_squeeze %dma_wait3A_265 : memref<1x128x128xf32, #tpu.memory_space<vmem>> -> memref<128x128xf32, #tpu.memory_space<vmem>>
    tpu.wait_dma2 semaphore(%dma_wait3A_260 : memref<!tpu.dma_semaphore, #tpu.memory_space<semaphore_mem>>) src(%dma_wait3A_266 : memref<128x128xf32, #tpu.memory_space<vmem>>) dst(%dma_wait3A_262 : memref<128x128xf32, #tpu.memory_space<hbm>>)
    %dma_wait3A_267 = arith.constant 2 : i32
    %dma_wait3A_268 = arith.constant 2 : i32
    %dma_wait3A_269 = arith.constant 0 : i32
    %dma_wait3A_270 = arith.constant 0 : i32
    %dma_wait3A_271 = tpu.memref_slice %arg9[%dma_wait3A_267, %dma_wait3A_269, %dma_wait3A_270] : memref<5x128x128xf32, #tpu.memory_space<vmem>> -> memref<1x128x128xf32, #tpu.memory_space<vmem>>
    %dma_wait3A_272 = tpu.memref_squeeze %dma_wait3A_271 : memref<1x128x128xf32, #tpu.memory_space<vmem>> -> memref<128x128xf32, #tpu.memory_space<vmem>>
    %dma_wait3A_273 = arith.constant 0 : i32
    %dma_wait3A_274 = tpu.memref_slice %arg5[%mul3A_2, %dma_wait3A_273] : memref<819200x128xf32, #tpu.memory_space<hbm>> -> memref<128x128xf32, #tpu.memory_space<hbm>>
    %dma_wait3A_275 = tpu.memref_slice %arg12[%dma_wait3A_268] : memref<5x!tpu.dma_semaphore, #tpu.memory_space<semaphore_mem>> -> memref<1x!tpu.dma_semaphore, #tpu.memory_space<semaphore_mem>>
    %dma_wait3A_276 = tpu.memref_squeeze %dma_wait3A_275 : memref<1x!tpu.dma_semaphore, #tpu.memory_space<semaphore_mem>> -> memref<!tpu.dma_semaphore, #tpu.memory_space<semaphore_mem>>
    %dma_wait3A_277 = arith.constant 0 : i32
    %dma_wait3A_278 = tpu.memref_slice %arg5[%mul3A_2, %dma_wait3A_277] : memref<819200x128xf32, #tpu.memory_space<hbm>> -> memref<128x128xf32, #tpu.memory_space<hbm>>
    %dma_wait3A_279 = arith.constant 0 : i32
    %dma_wait3A_280 = arith.constant 0 : i32
    %dma_wait3A_281 = tpu.memref_slice %arg9[%dma_wait3A_267, %dma_wait3A_279, %dma_wait3A_280] : memref<5x128x128xf32, #tpu.memory_space<vmem>> -> memref<1x128x128xf32, #tpu.memory_space<vmem>>
    %dma_wait3A_282 = tpu.memref_squeeze %dma_wait3A_281 : memref<1x128x128xf32, #tpu.memory_space<vmem>> -> memref<128x128xf32, #tpu.memory_space<vmem>>
    tpu.wait_dma2 semaphore(%dma_wait3A_276 : memref<!tpu.dma_semaphore, #tpu.memory_space<semaphore_mem>>) src(%dma_wait3A_282 : memref<128x128xf32, #tpu.memory_space<vmem>>) dst(%dma_wait3A_278 : memref<128x128xf32, #tpu.memory_space<hbm>>)
    %dma_wait3A_283 = arith.constant 3 : i32
    %dma_wait3A_284 = arith.constant 3 : i32
    %dma_wait3A_285 = arith.constant 0 : i32
    %dma_wait3A_286 = arith.constant 0 : i32
    %dma_wait3A_287 = tpu.memref_slice %arg9[%dma_wait3A_283, %dma_wait3A_285, %dma_wait3A_286] : memref<5x128x128xf32, #tpu.memory_space<vmem>> -> memref<1x128x128xf32, #tpu.memory_space<vmem>>
    %dma_wait3A_288 = tpu.memref_squeeze %dma_wait3A_287 : memref<1x128x128xf32, #tpu.memory_space<vmem>> -> memref<128x128xf32, #tpu.memory_space<vmem>>
    %dma_wait3A_289 = arith.constant 0 : i32
    %dma_wait3A_290 = tpu.memref_slice %arg5[%mul3A_2, %dma_wait3A_289] : memref<819200x128xf32, #tpu.memory_space<hbm>> -> memref<128x128xf32, #tpu.memory_space<hbm>>
    %dma_wait3A_291 = tpu.memref_slice %arg12[%dma_wait3A_284] : memref<5x!tpu.dma_semaphore, #tpu.memory_space<semaphore_mem>> -> memref<1x!tpu.dma_semaphore, #tpu.memory_space<semaphore_mem>>
    %dma_wait3A_292 = tpu.memref_squeeze %dma_wait3A_291 : memref<1x!tpu.dma_semaphore, #tpu.memory_space<semaphore_mem>> -> memref<!tpu.dma_semaphore, #tpu.memory_space<semaphore_mem>>
    %dma_wait3A_293 = arith.constant 0 : i32
    %dma_wait3A_294 = tpu.memref_slice %arg5[%mul3A_2, %dma_wait3A_293] : memref<819200x128xf32, #tpu.memory_space<hbm>> -> memref<128x128xf32, #tpu.memory_space<hbm>>
    %dma_wait3A_295 = arith.constant 0 : i32
    %dma_wait3A_296 = arith.constant 0 : i32
    %dma_wait3A_297 = tpu.memref_slice %arg9[%dma_wait3A_283, %dma_wait3A_295, %dma_wait3A_296] : memref<5x128x128xf32, #tpu.memory_space<vmem>> -> memref<1x128x128xf32, #tpu.memory_space<vmem>>
    %dma_wait3A_298 = tpu.memref_squeeze %dma_wait3A_297 : memref<1x128x128xf32, #tpu.memory_space<vmem>> -> memref<128x128xf32, #tpu.memory_space<vmem>>
    tpu.wait_dma2 semaphore(%dma_wait3A_292 : memref<!tpu.dma_semaphore, #tpu.memory_space<semaphore_mem>>) src(%dma_wait3A_298 : memref<128x128xf32, #tpu.memory_space<vmem>>) dst(%dma_wait3A_294 : memref<128x128xf32, #tpu.memory_space<hbm>>)
    %dma_wait3A_299 = arith.constant 4 : i32
    %dma_wait3A_300 = arith.constant 4 : i32
    %dma_wait3A_301 = arith.constant 0 : i32
    %dma_wait3A_302 = arith.constant 0 : i32
    %dma_wait3A_303 = tpu.memref_slice %arg9[%dma_wait3A_299, %dma_wait3A_301, %dma_wait3A_302] : memref<5x128x128xf32, #tpu.memory_space<vmem>> -> memref<1x128x128xf32, #tpu.memory_space<vmem>>
    %dma_wait3A_304 = tpu.memref_squeeze %dma_wait3A_303 : memref<1x128x128xf32, #tpu.memory_space<vmem>> -> memref<128x128xf32, #tpu.memory_space<vmem>>
    %dma_wait3A_305 = arith.constant 0 : i32
    %dma_wait3A_306 = tpu.memref_slice %arg5[%mul3A_2, %dma_wait3A_305] : memref<819200x128xf32, #tpu.memory_space<hbm>> -> memref<128x128xf32, #tpu.memory_space<hbm>>
    %dma_wait3A_307 = tpu.memref_slice %arg12[%dma_wait3A_300] : memref<5x!tpu.dma_semaphore, #tpu.memory_space<semaphore_mem>> -> memref<1x!tpu.dma_semaphore, #tpu.memory_space<semaphore_mem>>
    %dma_wait3A_308 = tpu.memref_squeeze %dma_wait3A_307 : memref<1x!tpu.dma_semaphore, #tpu.memory_space<semaphore_mem>> -> memref<!tpu.dma_semaphore, #tpu.memory_space<semaphore_mem>>
    %dma_wait3A_309 = arith.constant 0 : i32
    %dma_wait3A_310 = tpu.memref_slice %arg5[%mul3A_2, %dma_wait3A_309] : memref<819200x128xf32, #tpu.memory_space<hbm>> -> memref<128x128xf32, #tpu.memory_space<hbm>>
    %dma_wait3A_311 = arith.constant 0 : i32
    %dma_wait3A_312 = arith.constant 0 : i32
    %dma_wait3A_313 = tpu.memref_slice %arg9[%dma_wait3A_299, %dma_wait3A_311, %dma_wait3A_312] : memref<5x128x128xf32, #tpu.memory_space<vmem>> -> memref<1x128x128xf32, #tpu.memory_space<vmem>>
    %dma_wait3A_314 = tpu.memref_squeeze %dma_wait3A_313 : memref<1x128x128xf32, #tpu.memory_space<vmem>> -> memref<128x128xf32, #tpu.memory_space<vmem>>
    tpu.wait_dma2 semaphore(%dma_wait3A_308 : memref<!tpu.dma_semaphore, #tpu.memory_space<semaphore_mem>>) src(%dma_wait3A_314 : memref<128x128xf32, #tpu.memory_space<vmem>>) dst(%dma_wait3A_310 : memref<128x128xf32, #tpu.memory_space<hbm>>)
    return
  }
}

</mosaic_0001>

<sc_bundles>
// kernel: kernel.3.cloned.1.call-start
scs
__scs_entry_jumppad:
0x0: {  	(pc) =	sbr.rel $0x88, $3  }
0x1: {  	(tag) =	ssettag $0x0;
	lr =	simm.s32 $0x1  }
0x2: {  	[smem:$0x3F9E] =	sst lr;
	_ =	strace $0xD0000000  }
0x3: {  	_ = 	snop  }
0x4: {  	_ = 	snop  }
0x5: {  	_ = 	snop  }
0x6: {  	_ = 	snop  }
0x7: {  	_ = 	snop  }
__scs_overlays_trampoline_lowered:
0x8: {  	[smem:$0x3FAD] =	sst s0  }
0x9: {  	[smem:$0x3FAE] =	sst s1  }
0xa: {  	[smem:$0x3FAF] =	sst s2  }
0xb: {  	[smem:$0x3FB0] =	sst s3  }
0xc: {  	[smem:$0x3FB1] =	sst s4  }
0xd: {  	[smem:$0x3FB2] =	sst s5  }
0xe: {  	[smem:$0x3FB3] =	sst s6  }
0xf: {  	[smem:$0x3FB4] =	sst s7  }
0x10: {  	[smem:$0x3FB5] =	sst s8  }
0x11: {  	[smem:$0x3FB6] =	sst s9;
	s0 =	simm.s32 @!p0 $0x0  }
0x12: {  	s1 =	sld [smem:$0x3F9C];
	s0 =	simm.s32 @p0 $0x1  }
0x13: {  	[smem:$0x3FB7] =	sst s0;
	s0 =	simm.s32 @!p1 $0x0  }
0x14: {  	s2 =	sld [smem:$0x3F9B];
	s0 =	simm.s32 @p1 $0x1  }
0x15: {  	[smem:$0x3FB8] =	sst s0;
	s0 =	simm.s32 @!p2 $0x0  }
0x16: {  	s3 =	sld [smem:$0x3FDB];
	s0 =	simm.s32 @p2 $0x1  }
0x17: {  	s4 =	simm.s32 $0x1BF5;
	[smem:$0x3FBA] =	sst s0  }
0x18: {  	s0 =	sld [smem:$0x3F9D];
	_ =	swait.ge [sflag:s4], $0x0  }
0x19: {  	s7 =	sld [smem:$0x3F9E]  }
0x1a: {  	s8 =	sadd.s32 $0xFFFFE003, lr  }
0x1b: {  	s9 =	sadd.s32 $0xFFFFFEF7, lr;
	s5 =	simm.s32 $0xFFFFFFFF;
	p2 =	slt.u32 s8, $0xFFFFF086  }
0x1c: {  	p1 =	slt.u32 s9, $0xF7A;
	s5 =	simm.s32 @!p2 $0x0  }
0x1d: {  	s5 =	simm.s32 @p1 $0x1;
	p0 =	seq.s32 s7, s2  }
0x1e: {  	s7 =	smul.u32 @!p0 $0xF7A, s2;
	p2 =	seq.s32 @!p0 s5, $0x0  }
0x1f: {  	s9 =	smul.u32 $0xF7A, s1;
	s8 =	simm.s32 @!p0 $0x1BF5;
	p2 =	por !p2, p0  }
0x20: {  	[sflag:s8] =	ssyncset.s32 @!p0 $0xFFFFF086;
	s6 =	sadd.s32 @!p0 s3, s7;
	s7 =	simm.s32 @!p0 $0x108  }
0x21: {  	s3 =	sadd.s32 s3, s9;
	s6 =	sadd.s32 @!p0 $0x88, s6;
	s7 =	simm.s32 @p2 $0x1082  }
0x22: {  	[simem:s7], [sflag:s8] =	dma.local @!p0 [hbm:s6], $0xF7A  }
0x23: {  	s9 =	sor.u32 $0xD0000000, s2;
	s6 =	simm.s32 $0x108;
	_ =	swait.ge @!p0 [sflag:s8], $0x0  }
0x24: {  	s3 =	sadd.s32 $0x88, s3;
	s6 =	simm.s32 @!p1 $0x1082;
	[sflag:s4] =	ssyncset.s32 $0xFFFFF086  }
0x25: {  	[simem:s6], [sflag:s4] =	dma.local [hbm:s3], $0xF7A  }
0x26: {  	[smem:$0x3F9E] =	sst s1;
	(tag) =	ssettag s2;
	_ =	strace s9  }
0x27: {  	s1 =	sld [smem:$0x3FAE]  }
0x28: {  	s2 =	sld [smem:$0x3FAF]  }
0x29: {  	s4 =	sld [smem:$0x3FB1]  }
0x2a: {  	p0 =	seq.s32 s5, $0x0;
	s5 =	sld [smem:$0x3FB2]  }
0x2b: {  	s6 =	sld [smem:$0x3FB3]  }
0x2c: {  	s7 =	sld [smem:$0x3FB4]  }
0x2d: {  	s3 =	simm.s32 $0x108;
	s8 =	sld [smem:$0x3FB5]  }
0x2e: {  	s3 =	simm.s32 @!p0 $0x1082;
	s9 =	sld [smem:$0x3FB6]  }
0x2f: {  	lr =	sadd.s32 s0, s3;
	s0 =	sld [smem:$0x3FAD]  }
0x30: {  	s3 =	sld [smem:$0x3FB0]  }
0x31: {  	[smem:$0x3FB9] =	sst s10  }
0x32: {  	s10 =	sld [smem:$0x3FB7];
	_ =	sdelay $0x3  }
0x33: {  	p0 =	seq.s32 s10, $0x1;
	s10 =	sld [smem:$0x3FB9];
	_ =	sdelay $0x3  }
0x34: {  	[smem:$0x3FB9] =	sst s10  }
0x35: {  	s10 =	sld [smem:$0x3FB8];
	_ =	sdelay $0x3  }
0x36: {  	p1 =	seq.s32 s10, $0x1;
	s10 =	sld [smem:$0x3FB9];
	_ =	sdelay $0x3  }
0x37: {  	[smem:$0x3FB9] =	sst s10  }
0x38: {  	s10 =	sld [smem:$0x3FBA]  }
0x39: {  	_ = 	snop;
	(pc) =	sbr.ind lr, $3  }
0x3a: {  	_ = 	snop  }
0x3b: {  	_ = 	snop  }
0x3c: {  	p2 =	seq.s32 s10, $0x1;
	s10 =	sld [smem:$0x3FB9]  }
0x3d: {  	_ =	shalt  }
0x3e: {  	_ =	shalt  }
0x3f: {  	_ =	shalt  }
0x40: {  	_ =	shalt  }
0x41: {  	_ =	shalt  }
0x42: {  	_ =	shalt  }
0x43: {  	_ =	shalt  }
0x44: {  	_ =	shalt  }
0x45: {  	_ =	shalt  }
0x46: {  	_ =	shalt  }
0x47: {  	_ =	shalt  }
0x48: {  	_ =	shalt  }
0x49: {  	_ =	shalt  }
0x4a: {  	_ =	shalt  }
0x4b: {  	_ =	shalt  }
0x4c: {  	_ =	shalt  }
0x4d: {  	_ =	shalt  }
0x4e: {  	_ =	shalt  }
0x4f: {  	_ =	shalt  }
0x50: {  	_ =	shalt  }
0x51: {  	_ =	shalt  }
0x52: {  	_ =	shalt  }
0x53: {  	_ =	shalt  }
0x54: {  	_ =	shalt  }
0x55: {  	_ =	shalt  }
0x56: {  	_ =	shalt  }
0x57: {  	_ =	shalt  }
0x58: {  	_ =	shalt  }
0x59: {  	_ =	shalt  }
0x5a: {  	_ =	shalt  }
0x5b: {  	_ =	shalt  }
0x5c: {  	_ =	shalt  }
0x5d: {  	_ =	shalt  }
0x5e: {  	_ =	shalt  }
0x5f: {  	_ =	shalt  }
0x60: {  	_ =	shalt  }
0x61: {  	_ =	shalt  }
0x62: {  	_ =	shalt  }
0x63: {  	_ =	shalt  }
0x64: {  	_ =	shalt  }
0x65: {  	_ =	shalt  }
0x66: {  	_ =	shalt  }
0x67: {  	_ =	shalt  }
0x68: {  	_ =	shalt  }
0x69: {  	_ =	shalt  }
0x6a: {  	_ =	shalt  }
0x6b: {  	_ =	shalt  }
0x6c: {  	_ =	shalt  }
0x6d: {  	_ =	shalt  }
0x6e: {  	_ =	shalt  }
0x6f: {  	_ =	shalt  }
0x70: {  	_ =	shalt  }
0x71: {  	_ =	shalt  }
0x72: {  	_ =	shalt  }
0x73: {  	_ =	shalt  }
0x74: {  	_ =	shalt  }
0x75: {  	_ =	shalt  }
0x76: {  	_ =	shalt  }
0x77: {  	_ =	shalt  }
0x78: {  	_ =	shalt  }
0x79: {  	_ =	shalt  }
0x7a: {  	_ =	shalt  }
0x7b: {  	_ =	shalt  }
0x7c: {  	_ =	shalt  }
0x7d: {  	_ =	shalt  }
0x7e: {  	_ =	shalt  }
0x7f: {  	_ =	shalt  }
0x80: {  	_ =	shalt  }
0x81: {  	_ =	shalt  }
0x82: {  	_ =	shalt  }
0x83: {  	_ =	shalt  }
0x84: {  	_ =	shalt  }
0x85: {  	_ =	shalt  }
0x86: {  	_ =	shalt  }
0x87: {  	_ =	shalt  }
.Lfunc_end0:
.L_simem_size_0:
called_computation_lowered:
.L_overlay_start_0:
0x88: {  	s2 =	sld [smem:$0x3FD9]  }
0x89: {  	s3 =	sld [smem:$0x3FFE];
	_ =	sdelay $0x1  }
0x8a: {  	s1 =	srdreg.scid  }
0x8b: {  	s0 =	sand.u32 $0x1, s1  }
0x8c: {  	s17 =	sshll.u32 s0, $0xA;
	s2 =	sadd.s32 s3, s2  }
0x8d: {  	s2 =	sadd.s32 s2, s17  }
0x8e: {  	[smem:$0x3FC5] =	sst s2  }
0x8f: {  	_ = 	snop  }
0x90: {  	s2 =	sld [smem:$0x3FC8]  }
0x91: {  	s18 =	sld [smem:$0x3FC7]  }
0x92: {  	s4 =	sld [smem:$0x3FD0];
	(tm) =	ssettm $0x1  }
0x93: {  	s5 =	sld [smem:$0x3FFB];
	_ =	sdelay $0x3  }
0x94: {  	_ =	strace s5  }
0x95: {  	s5 =	sld [smem:$0x3FFC];
	_ =	sdelay $0x3  }
0x96: {  	_ =	strace s5  }
0x97: {  	s5 =	sld [smem:$0x3FFD];
	_ =	sdelay $0x3  }
0x98: {  	_ =	strace s5  }
0x99: {  	_ =	strace $0x8FFFFFFF  }
0x9a: {  	s19 =	sld [smem:$0x3FDB];
	_ =	sdelay $0x1  }
0x9b: {  	s6 =	simm.s32 $_scs_section_size  }
0x9c: {  	s7 =	simm.s32 $_size__tile_overlayer_lowered;
	s8 =	simm.s32 $_tile_overlayer_lowered  }
0x9d: {  	s22 =	simm.s32 $0x1BFF;
	s21 =	sshll.u32 s8, $0x1;
	s5 =	sadd.s32 s6, s19  }
0x9e: {  	s9 =	simm.s32 $0x0;
	s20 =	sshll.u32 s7, $0x1;
	s7 =	sadd.s32 s21, s5  }
0x9f: {  	[timem:s9], [sflag:s22] =	dma.local [hbm:s7], s20  }
0xa0: {  	_ =	swait.ge [sflag:s22], s20  }
0xa1: {  	s6 =	ssub.s32 $0x0, s20;
	[sflag:s22] =	ssyncset.done $0x0  }
0xa2: {  	[sflag:s22] =	ssyncadd.s32 s6;
	_ =	sdelay $0x1  }
0xa3: {  	s23 =	simm.s32 $0x1B8B  }
0xa4: {  	_ =	swait.ge [sflag:s23], $0x1  }
0xa5: {  	[sflag:s23] =	ssyncset.done $0x0  }
0xa6: {  	s25 =	simm.s32 $0x1B8E;
	s24 =	sld [smem:$0x3FFE];
	[sflag:s23] =	ssyncadd.s32 $0xFFFFFFFF  }
0xa7: {  	s26 =	simm.s32 $execute0_lowered;
	[smem:$0x3FD2] =	sst s25  }
0xa8: {  	s7 =	sshll.u32 s26, $0x1;
	_ =	strace $0x80000046;
	[dreg:$0x1] =	wrdreg $0xFFFFFFFF  }
0xa9: {  	s28 =	simm.s32 $_size_execute0_lowered;
	s5 =	sadd.s32 s5, s7;
	[dreg:$0x0] =	wrdreg $0x0  }
0xaa: {  	s7 =	sshll.u32 s28, $0x1;
	[dreg:$0x2] =	wrdreg s5  }
0xab: {  	[dreg:$0x3] =	wrdreg s7  }
0xac: {  	[dreg:$0x4] =	wrdreg $0xC0  }
0xad: {  	_ =	task [dreg:s9], $0x5FFFF  }
0xae: {  	[dreg:$0x1] =	wrdreg $0xFFFFFFFF  }
0xaf: {  	[dreg:$0x0] =	wrdreg $0x60  }
0xb0: {  	[dreg:$0x2] =	wrdreg s24  }
0xb1: {  	[dreg:$0x3] =	wrdreg s2  }
0xb2: {  	[dreg:$0x4] =	wrdreg s18  }
0xb3: {  	[dreg:$0x5] =	wrdreg s4  }
0xb4: {  	[dreg:$0x6] =	wrdreg $0x0  }
0xb5: {  	[dreg:$0x7] =	wrdreg $0x9  }
0xb6: {  	_ =	task.clear_ibuf [dreg:s9], $0x8FFFF;
	_ =	strace $0x90000046  }
0xb7: {  	s29 =	simm.s32 $0x9;
	_ =	strace $0x80000048  }
0xb8: {  	_ =	swait.ge [sflag:s29], $0x1  }
0xb9: {  	[sflag:s29] =	ssyncadd.s32 $0xFFFFFFFF  }
0xba: {  	_ =	strace $0x90000048  }
0xbb: {  	_ =	sfence  }
0xbc: {  	s30 =	sld [smem:$0x0];
	_ =	sdelay $0x2  }
0xbd: {  	s31 =	sshll.u32 s1, $0xD;
	s1 =	sshrl.u32 s1, $0x2  }
0xbe: {  	s3 =	sand.u32 $0x4000, s31;
	s1 =	sadd.s32 s1, s30  }
0xbf: {  	s0 =	sor.u32 s3, s0;
	s1 =	sshll.u32 s1, $0x11  }
0xc0: {  	s0 =	sor.u32 s1, s0  }
0xc1: {  	s0 =	sadd.s32 $0x8F2B, s0  }
0xc2: {  	[sflag:s0] =	ssyncadd.remote.s32 $0x1  }
0xc3: {  	_ =	sfence.sel $0xFFFF  }
0xc4: {  	[dreg:$0x0] =	wrdreg $0xFFFFFFFF;
	(pc) =	sbr.abs _section_cstart, $3  }
0xc5: {  	[dreg:$0x1] =	wrdreg $0xFFFFFFFF  }
0xc6: {  	_ =	task.clear_ibuf [dreg:s9], $0x2FFFF;
	_ =	strace $0x9FFFFFFF  }
0xc7: {  	(tm) =	ssettm $0x7FFFFFFF  }
tec
execute0_lowered:
.L_overlay_start_1:
0x0: {  	(tag) =	ssettag $0x1  }
0x1: {  	s2 =	rddreg [dreg:$0x0]  }
0x2: {  	s0 =	rddreg [dreg:$0x1]  }
0x3: {  	s1 =	rddreg [dreg:$0x2]  }
0x4: {  	s5 =	rddreg [dreg:$0x3];
	s4 =	srdreg.scid  }
0x5: {  	s9 =	stileid.u32;
	s3 =	rddreg [dreg:$0x4];
	s13 =	simm.s32 $0x80  }
0x6: {  	s17 =	simm.s32 $0xB40;
	s18 =	simm.s32 $0xEFC0;
	s19 =	simm.s32 $0xA  }
0x7: {  	s20 =	simm.s32 $0x16FC0;
	s21 =	simm.s32 $0xB;
	s22 =	simm.s32 $0xC  }
0x8: {  	s23 =	simm.s32 $0xD;
	s24 =	simm.s32 $0xE;
	s25 =	simm.s32 $0xF  }
0x9: {  	s6 =	sand.u32 $0x1, s4;
	s7 =	sshll.u32 s9, $0x1;
	s4 =	simm.s32 $0x0  }
0xa: {  	s11 =	smul.u32 $0xC8000, s9;
	s12 =	sadd.s32 $0x6400, s3;
	p0 =	sne.s32 s9, $0x0  }
0xb: {  	v0 =	vlaneseq.u32;
	s7 =	sor.u32 s6, s7;
	[smem:$0x7FF] =	sst s4;
	s28 =	smul.u32 $0x64000, s6  }
0xc: {  	v1 =	vor.u32 $0x10, v0;
	v2 =	vor.u32 $0x20, v0;
	s10 =	ssub.s32 $0x2, s6;
	s9 =	sshrl.u32 @!p0 s3, $0x3;
	s8 =	smul.u32 $0xC80, s7  }
0xd: {  	v3 =	vor.u32 $0x30, v0;
	v4 =	vor.u32 $0x40, v0;
	v5 =	vor.u32 $0x50, v0;
	_ =	strace $0x80000047;
	s7 =	smul.u32 $0x320000, s7;
	s26 =	sshrl.u32 s10, $0x1  }
.Ltmp0:
0xe: {  	v6 =	vor.u32 $0x60, v0;
	v7 =	vor.u32 $0x70, v0;
	v8 =	vor.u32 $0x80, v0;
	s30 =	sadd.s32 s11, s5;
	s11 =	simm.s32 $0xA40;
	(pc) =	sbr.rel .LBB2_1-.Ltmp0, $4  }
0xf: {  	v9 =	vor.u32 $0x90, v0;
	v10 =	vor.u32 $0xA0, v0;
	v11 =	vor.u32 $0xB0, v0;
	s31 =	sadd.s32 s28, s30;
	s2 =	sadd.s32 s8, s2;
	s8 =	ssub.s32 s10, s26  }
0x10: {  	v12 =	vor.u32 $0xC0, v0;
	v13 =	vor.u32 $0xD0, v0;
	v14 =	vor.u32 $0xE0, v0;
	s7 =	sshrl.u32 s7, $0x3;
	s10 =	sshrl.u32 @!p0 s12, $0x3;
	s12 =	simm.s32 $0x10  }
0x11: {  	v15 =	vor.u32 $0xF0, v0;
	v16 =	vor.u32 $0x100, v0;
	v17 =	vor.u32 $0x110, v0;
	s26 =	simm.s32 $0x0;
	s29 =	sadd.s32 s5, s7;
	s5 =	sadd.s32 $0x400, s2  }
0x12: {  	v18 =	vor.u32 $0x120, v0;
	v19 =	vor.u32 $0x130, v0;
	v20 =	vor.u32 $0x140, v0;
	s7 =	smax.u32 s8, $0x1;
	s8 =	sadd.s32 $0xFFFFF800, s31;
	s6 =	sadd.s32 $0x63800, s29  }
.LBB2_7:
0x13: {  	_ =	swait.ge [sflag:s19], $0x4000  }
0x14: {  	[sflag:s19] =	ssyncset.done $0x0  }
0x15: {  	[sflag:s19] =	ssyncadd.s32 $0xFFFFC000  }
0x16: {  	[hbm4b:s6+s4] =	stream.linear.scatter [tilespmem:s20], [sflag:$0xF], $0x4000, $0x38;
	[tilespmem:$0x1AFC0] =	vst v63  }
0x17: {  	_ =	swait.ge [sflag:s21], $0x4000  }
0x18: {  	[sflag:s21] =	ssyncset.done $0x0  }
0x19: {  	[sflag:s21] =	ssyncadd.s32 $0xFFFFC000  }
0x1a: {  	_ =	swait.ge [sflag:s22], $0x4000  }
0x1b: {  	[sflag:s22] =	ssyncset.done $0x0  }
0x1c: {  	[sflag:s22] =	ssyncadd.s32 $0xFFFFC000  }
0x1d: {  	_ =	swait.ge [sflag:s23], $0x4000  }
0x1e: {  	[sflag:s23] =	ssyncset.done $0x0  }
0x1f: {  	s26 =	sadd.s32 $0x1, s26;
	[sflag:s23] =	ssyncadd.s32 $0xFFFFC000  }
0x20: {  	p1 =	sne.s32 s26, s7;
	_ =	swait.ge [sflag:s24], $0x4000  }
.Ltmp1:
0x21: {  	[sflag:s24] =	ssyncset.done $0x0;
	(pc) =	sbr.rel @!p1 .LBB2_8-.Ltmp1, $4  }
0x22: {  	[sflag:s24] =	ssyncadd.s32 $0xFFFFC000  }
0x23: {  	_ =	swait.ge [sflag:s25], $0x4000  }
0x24: {  	[sflag:s25] =	ssyncset.done $0x0  }
0x25: {  	[sflag:s25] =	ssyncadd.s32 $0xFFFFC000  }
.LBB2_1:
0x26: {  	s2 =	simm.s32 @!p0 $0x1C10;
	s14 =	simm.s32 @!p0 $0x10  }
0x27: {  	[spmem:s9], [sflag:s2] =	dma.local @!p0 [hbm:s1], $0xC80  }
0x28: {  	_ =	swait.ge @!p0 [sflag:s14], $0xC80  }
0x29: {  	[sflag:s14] =	ssyncset.done @!p0 $0x0  }
0x2a: {  	[sflag:s14] =	ssyncadd.s32 @!p0 $0xFFFFF380  }
0x2b: {  	[spmem:s10], [sflag:s2] =	dma.local @!p0 [hbm:s1], $0x800  }
0x2c: {  	_ =	swait.ge @!p0 [sflag:s14], $0x800  }
0x2d: {  	[sflag:s14] =	ssyncset.done @!p0 $0x0  }
0x2e: {  	[sflag:s14] =	ssyncadd.s32 @!p0 $0xFFFFF800  }
0x2f: {  	[tilespmem:s11], [sflag:$0x10] =	stream.linear.gather [hbm4b:s5+s4], $0x6400, $0x38;
	[tilespmem:$0x1AFC0] =	vst v63  }
0x30: {  	_ =	swait.ge [sflag:s12], $0x6400  }
0x31: {  	[sflag:s12] =	ssyncset.done $0x0  }
0x32: {  	[sflag:s12] =	ssyncadd.s32 $0xFFFF9C00  }
0x33: {  	[tilespmem:$0x6E40] =	vst v0  }
0x34: {  	[tilespmem:$0x6E50] =	vst v1  }
0x35: {  	[tilespmem:$0x6E60] =	vst v2  }
0x36: {  	[tilespmem:$0x6E70] =	vst v3  }
0x37: {  	[tilespmem:$0x6E80] =	vst v4  }
0x38: {  	[tilespmem:$0x6E90] =	vst v5  }
0x39: {  	[tilespmem:$0x6EA0] =	vst v6  }
0x3a: {  	[tilespmem:$0x6EB0] =	vst v7  }
0x3b: {  	[tilespmem:$0x6EC0] =	vst v8  }
0x3c: {  	[tilespmem:$0x6ED0] =	vst v9  }
0x3d: {  	[tilespmem:$0x6EE0] =	vst v10  }
0x3e: {  	[tilespmem:$0x6EF0] =	vst v11  }
0x3f: {  	[tilespmem:$0x6F00] =	vst v12  }
0x40: {  	[tilespmem:$0x6F10] =	vst v13  }
0x41: {  	[tilespmem:$0x6F20] =	vst v14  }
0x42: {  	[tilespmem:$0x6F30] =	vst v15  }
0x43: {  	[tilespmem:$0x6F40] =	vst v16  }
0x44: {  	[tilespmem:$0x6F50] =	vst v17  }
0x45: {  	[tilespmem:$0x6F60] =	vst v18  }
0x46: {  	[tilespmem:$0x6F70] =	vst v19  }
0x47: {  	[tilespmem:$0x6F80] =	vst v20  }
0x48: {  	s15 =	simm.s32 $0x6FC0;
	[bflag:$0x0] =	sbarrier.arrive $0xFFFF  }
0x49: {  	[tilespmem:s15], [sflag:$0x1] =	stream.indirect.gather [hbm4b:s0+s13], $0x80, s11, s13, $0xb8;
	[tilespmem:$0x1AFC0] =	vst v63  }
.Ltmp2:
0x4a: {  	_ = 	snop;
	(pc) =	sbr.rel .LBB2_2-.Ltmp2, $4  }
0x4b: {  	s16 =	simm.s32 $0xAC0;
	s29 =	simm.s32 $0xAFC0;
	s28 =	simm.s32 $0x3  }
0x4c: {  	[tilespmem:s29], [sflag:$0x2] =	stream.indirect.gather [hbm4b:s0+s13], $0x80, s16, s13, $0xb8;
	[tilespmem:$0x1AFC0] =	vst v63  }
0x4d: {  	s30 =	simm.s32 $0x0;
	s31 =	smov.u32 s8;
	s15 =	simm.s32 $0x600  }
0x4e: {  	[tilespmem:s18], [sflag:$0x3] =	stream.indirect.gather [hbm4b:s0+s13], $0x80, s17, s13, $0xb8;
	[tilespmem:$0x1AFC0] =	vst v63  }
.LBB2_5:
0x4f: {  	s2 =	sshll.u32 s14, $0xE;
	s16 =	sshra.s32 s29, $0x2  }
0x50: {  	s29 =	sadd.s32 $0x1, s14;
	s2 =	sadd.s32 $0x6FC0, s2;
	s16 =	sadd.s32 $0xA40, s16  }
0x51: {  	[tilespmem:s2], [sflag:s29] =	stream.indirect.gather [hbm4b:s0+s13], $0x80, s16, s13, $0xb8;
	[tilespmem:$0x1AFC0] =	vst v63  }
.LBB2_6:
0x52: {  	s28 =	sadd.s32 $0x1, s28  }
0x53: {  	p1 =	sne.s32 s28, $0xCB  }
.Ltmp3:
0x54: {  	_ = 	snop;
	(pc) =	sbr.rel @!p1 .LBB2_7-.Ltmp3, $2  }
0x55: {  	_ =	sdelay $0x2  }
0x56: {  	s15 =	sadd.s32 $0x200, s15;
	s31 =	sadd.s32 $0x800, s31;
	s30 =	sadd.s32 $0x80, s30  }
.LBB2_2:
0x57: {  	s2 =	sadd.s32 $0xFFFFFFFD, s28  }
0x58: {  	s14 =	smul.u32 $0xCD, s2;
	_ =	sdelay $0x1  }
0x59: {  	s14 =	sshrl.u32 s14, $0xA  }
0x5a: {  	s29 =	sand.u32 $0xFFF8, s30;
	s14 =	sand.u32 $0x3F, s14  }
0x5b: {  	s29 =	sshrl.u32 s29, $0x3;
	s14 =	smul.u32 $0x5, s14  }
0x5c: {  	s29 =	smul.u32 $0x147B, s29  }
0x5d: {  	s14 =	ssub.s32 s2, s14  }
0x5e: {  	s29 =	sshrl.u32 s29, $0x11;
	s14 =	sand.u32 $0xFF, s14  }
0x5f: {  	s29 =	smul.u32 $0xC8, s29;
	s16 =	sadd.s32 $0x1, s14  }
0x60: {  	p1 =	seq.s32 s28, $0x3;
	_ =	swait.ge [sflag:s16], $0x4000  }
.Ltmp4:
0x61: {  	s29 =	ssub.s32 s30, s29;
	[sflag:s16] =	ssyncset.done $0x0;
	(pc) =	sbr.rel @p1 .LBB2_5-.Ltmp4, $4  }
0x62: {  	s29 =	sand.u32 $0xFFFF, s29;
	[sflag:s16] =	ssyncadd.s32 $0xFFFFC000;
	s16 =	sshll.u32 s14, $0xE  }
0x63: {  	s29 =	sadd.s32 $0x6E40, s29;
	s14 =	sadd.s32 $0x6, s14;
	s16 =	sadd.s32 $0x6FC0, s16  }
0x64: {  	[tilespmem:s16], [sflag:s14] =	stream.indirect.gather.add.f32 [spmem:s3], $0x80, s29, s13, $0xb8;
	[tilespmem:$0x1AFC0] =	vst v63  }
0x65: {  	s14 =	simm.s32 $0x3;
	s29 =	simm.s32 $0x600  }
0x66: {  	s14 =	sadd.s32 $0x4, s2  }
0x67: {  	s16 =	sand.u32 $0xFF, s14  }
0x68: {  	s16 =	smul.u32 $0xCD, s16;
	_ =	sdelay $0x1  }
0x69: {  	s16 =	sshrl.u32 s16, $0xA  }
0x6a: {  	s16 =	smul.u32 $0x5, s16;
	_ =	sdelay $0x1  }
0x6b: {  	s14 =	ssub.s32 s14, s16  }
0x6c: {  	p1 =	sgt.u32 s2, $0xC4;
	s14 =	sand.u32 $0xFF, s14  }
.Ltmp5:
0x6d: {  	s16 =	sadd.s32 $0x6, s14;
	(pc) =	sbr.rel @p1 .LBB2_6-.Ltmp5, $4  }
0x6e: {  	_ =	swait.ge [sflag:s16], $0x4000  }
0x6f: {  	s29 =	sshll.u32 s14, $0xE;
	[sflag:s16] =	ssyncset.done $0x0  }
0x70: {  	s14 =	sadd.s32 $0xB, s14;
	s29 =	sadd.s32 $0x6FC0, s29;
	[sflag:s16] =	ssyncadd.s32 $0xFFFFC000  }
0x71: {  	[hbm4b:s31+s4] =	stream.linear.scatter [tilespmem:s29], [sflag:s14], $0x4000, $0x38;
	[tilespmem:$0x1AFC0] =	vst v63  }
0x72: {  	s2 =	smul.u32 $0xCD, s28;
	_ =	sdelay $0x1  }
0x73: {  	s2 =	sshrl.u32 s2, $0xA  }
0x74: {  	s2 =	sand.u32 $0x3F, s2  }
0x75: {  	s2 =	smul.u32 $0x5, s2;
	_ =	sdelay $0x1  }
0x76: {  	s2 =	ssub.s32 s28, s2  }
.Ltmp6:
0x77: {  	p1 =	seq.s32 s28, $0x4;
	s14 =	sand.u32 $0xFF, s2;
	(pc) =	sbr.rel .LBB2_5-.Ltmp6, $4  }
0x78: {  	s2 =	sadd.s32 @!p1 $0xB, s14  }
0x79: {  	_ =	swait.ge @!p1 [sflag:s2], $0x4000  }
0x7a: {  	s29 =	smov.u32 s15;
	[sflag:s2] =	ssyncset.done @!p1 $0x0  }
0x7b: {  	s29 =	simm.s32 @p1 $0x800;
	[sflag:s2] =	ssyncadd.s32 @!p1 $0xFFFFC000  }
.LBB2_8:
0x7c: {  	_ =	sfence.sel $0x180000  }
0x7d: {  	[bflag:$0x0] =	sbarrier.arrive $0xFFFF  }
0x7e: {  	_ =	strace $0x90000047  }
0x7f: {  	[bflag:$0x2] =	sbarrier.arrive $0xFFFF  }
0x80: {  	s0 =	rddreg [dreg:$0x5]  }
0x81: {  	s0 =	sadd.s32 @!p0 $0x100000, s0  }
0x82: {  	[sflag:s0] =	ssyncadd.tile.s32 @!p0 $0x1;
	_ =	shalt  }
.Lfunc_end2:
_tile_overlayer_lowered:
.L_overlay_start_2:
0x83: {  	(tag) =	ssettag $0x2  }
0x84: {  	s0 =	rddreg [dreg:$0x0];
	s2 =	stileid.u32  }
0x85: {  	s1 =	rddreg [dreg:$0x1];
	p0 =	sne.s32 s2, $0x0  }
0x86: {  	s3 =	rddreg [dreg:$0x2];
	[bflag:$0x3] =	sbarrier.arrive $0xFFFF;
	s2 =	simm.s32 @!p0 $0x1C10  }
0x87: {  	[timem:s3], [sflag:s2] =	dma.local @!p0 [hbm:s0], s1  }
0x88: {  	s0 =	simm.s32 @!p0 $0x10  }
0x89: {  	_ =	swait.ge @!p0 [sflag:s0], s1  }
0x8a: {  	s1 =	ssub.s32 @!p0 $0x0, s1;
	[sflag:s0] =	ssyncset.done @!p0 $0x0  }
0x8b: {  	[sflag:s0] =	ssyncadd.s32 @!p0 s1  }
0x8c: {  	[bflag:$0x3] =	sbarrier.arrive $0xFFFF  }
0x8d: {  	_ =	shalt  }

</sc_bundles>
